<compile_context>
chip_gen: v7x
topology: tpu7x:2x2x1
jax: 0.10.2.dev20260603
libtpu: 0.0.44.dev20260713+nightly
codegen_flags: <defaults>
</compile_context>

<pallas_src>
import functools

import jax
import jax.numpy as jnp
from jax import lax
from jax.experimental import pallas as pl
from jax.experimental.pallas import tpu as pltpu
from jax.experimental.pallas import tpu_sc as plsc

N_EDGES = 320000
D = 128
NUM_TYPES = 4
NC = 2
NS = 16
NW = NC * NS
B_PER_W = N_EDGES // NW
CHUNK = 80
NCHUNK = B_PER_W // CHUNK
NBUF = 5
LOOK = 3
NGRP = NCHUNK // NBUF

_mesh = plsc.VectorSubcoreMesh(core_axis_name="c", subcore_axis_name="s")


@functools.partial(
    pl.kernel,
    mesh=_mesh,
    out_type=jax.ShapeDtypeStruct((N_EDGES, D), jnp.float32),
    scratch_types=(
        [pltpu.VMEM((NCHUNK, CHUNK), jnp.int32),
         pltpu.VMEM_SHARED((NUM_TYPES, D), jnp.float32),
         pltpu.VMEM((NBUF, CHUNK, D), jnp.float32)]
        + [pltpu.SemaphoreType.DMA] * (2 * NBUF)
    ),
)
def _emb_lookup(idx_hbm, table_hbm, out_hbm, idx_v, table_v, rows, *sems):
    gsem = sems[:NBUF]
    wsem = sems[NBUF:]
    sid = lax.axis_index("s")
    wid = sid * NC + lax.axis_index("c")
    base = wid * B_PER_W
    pltpu.sync_copy(idx_hbm.at[wid], idx_v)

    @pl.when(sid == 0)
    def _():
        pltpu.sync_copy(table_hbm, table_v)

    plsc.subcore_barrier()

    def gather(j, b):
        pltpu.async_copy(table_v.at[idx_v.at[j]], rows.at[b], gsem[b])

    def gather_wait(j, b):
        pltpu.make_async_copy(
            table_v.at[idx_v.at[j]], rows.at[b], gsem[b]).wait()

    def write(j, b):
        pltpu.async_copy(
            rows.at[b], out_hbm.at[pl.ds(base + j * CHUNK, CHUNK), :], wsem[b])

    def write_wait(b):
        pltpu.make_async_copy(
            rows.at[b], out_hbm.at[pl.ds(base, CHUNK), :], wsem[b]).wait()

    for j in range(LOOK):
        gather(j, j % NBUF)

    for db in range(NBUF):
        j, b = db, db
        gather_wait(j, b)
        write(j, b)
        jn, bn = j + LOOK, (db + LOOK) % NBUF
        if jn >= NBUF:
            write_wait(bn)
        gather(jn, bn)

    def group(g, carry):
        j0 = g * NBUF
        for db in range(NBUF):
            j, b = j0 + db, db
            gather_wait(j, b)
            write(j, b)
            jn, bn = j + LOOK, (db + LOOK) % NBUF
            write_wait(bn)
            gather(jn, bn)
        return carry

    lax.fori_loop(1, NGRP - 1, group, 0)

    for db in range(NBUF):
        j, b = (NGRP - 1) * NBUF + db, db
        gather_wait(j, b)
        write(j, b)
        jn, bn = j + LOOK, (db + LOOK) % NBUF
        if jn < NCHUNK:
            write_wait(bn)
            gather(jn, bn)

    for b in range(NBUF):
        write_wait(b)


def kernel(edge_attr, emb_weight):
    idx3d = edge_attr.reshape(NW, NCHUNK, CHUNK)
    return _emb_lookup(idx3d, emb_weight)

# --- scband reference (transcript-rebuilt; emitter-appended) ---
"""Pipeline reference for scband-qm9-edge-encoder-72610717106374 (READ-ONLY COPY).

The authoritative reference and input builder live on the scoring server;
editing this copy changes nothing except your own understanding.
"""

import jax, jax.numpy as jnp
import numpy as np

HIDDEN_DIM = 128
NUM_TYPES = 4
N_EDGES = 320000

def setup_inputs(seed: int = 0) -> dict:
    key = jax.random.key(seed)
    k1, k2 = jax.random.split(key)
    edge_attr = jax.random.randint(k1, (N_EDGES,), 0, NUM_TYPES, dtype=jnp.int64 if jax.config.jax_enable_x64 else jnp.int32)
    emb_weight = jax.random.normal(k2, (NUM_TYPES, HIDDEN_DIM), dtype=jnp.float32)
    return {"edge_attr": edge_attr, "emb_weight": emb_weight}

def reference(edge_attr, emb_weight):
    # data['edge_h'] = self.emb(data.edge_attr)
    edge_h = jnp.take(emb_weight, edge_attr, axis=0)
    return edge_h

if __name__ == "__main__":
    import jax
    _d = setup_inputs()
    print(jax.jit(kernel)(*tuple(_d.values())))

</pallas_src>

<mosaic_0001>
#map = affine_map<(d0, d1) -> (0, 0, 0)>
#map1 = affine_map<(d0, d1) -> (0, 0)>
module attributes {stable_mosaic.version = 14 : i64} {
  func.func @_emb_lookup(%arg0: i32, %arg1: i32, %arg2: memref<32x125x80xi32, #tpu.memory_space<hbm>>, %arg3: memref<4x128xf32, #tpu.memory_space<hbm>>, %arg4: memref<320000x128xf32, #tpu.memory_space<hbm>>, %arg5: memref<125x80xi32, #tpu.memory_space<vmem>>, %arg6: memref<4x128xf32, #tpu.memory_space<vmem_shared>>, %arg7: memref<5x80x128xf32, #tpu.memory_space<vmem>>, %arg8: memref<!tpu.dma_semaphore, #tpu.memory_space<semaphore_mem>>, %arg9: memref<!tpu.dma_semaphore, #tpu.memory_space<semaphore_mem>>, %arg10: memref<!tpu.dma_semaphore, #tpu.memory_space<semaphore_mem>>, %arg11: memref<!tpu.dma_semaphore, #tpu.memory_space<semaphore_mem>>, %arg12: memref<!tpu.dma_semaphore, #tpu.memory_space<semaphore_mem>>, %arg13: memref<!tpu.dma_semaphore, #tpu.memory_space<semaphore_mem>>, %arg14: memref<!tpu.dma_semaphore, #tpu.memory_space<semaphore_mem>>, %arg15: memref<!tpu.dma_semaphore, #tpu.memory_space<semaphore_mem>>, %arg16: memref<!tpu.dma_semaphore, #tpu.memory_space<semaphore_mem>>, %arg17: memref<!tpu.dma_semaphore, #tpu.memory_space<semaphore_mem>>) attributes {dimension_semantics = [#tpu.dimension_semantics<core_parallel>, #tpu.dimension_semantics<subcore_parallel>], iteration_bounds = array<i64: 2, 16>, scalar_prefetch = 0 : i64, scratch_operands = 13 : i64, tpu.core_type = #tpu.core_type<sc_vector_subcore>, window_params = [{transform_indices = #map}, {transform_indices = #map1}, {transform_indices = #map1}]} {
    %mul3A = arith.constant 2 : i32
    %mul3A_0 = arith.muli %arg1, %mul3A : i32
    %add3A = arith.addi %mul3A_0, %arg0 : i32
    %mul3A_1 = arith.constant 10000 : i32
    %mul3A_2 = arith.muli %add3A, %mul3A_1 : i32
    "tpu.region"() ({
      %run_scoped3A = tpu.sem_alloc : memref<!tpu.dma_semaphore, #tpu.memory_space<semaphore_mem>>
      %dma_start3A_528 = arith.constant 0 : i32
      %dma_start3A_529 = arith.constant 0 : i32
      %dma_start3A_530 = tpu.memref_slice %arg2[%add3A, %dma_start3A_528, %dma_start3A_529] : memref<32x125x80xi32, #tpu.memory_space<hbm>> -> memref<1x125x80xi32, #tpu.memory_space<hbm>>
      %dma_start3A_531 = tpu.memref_squeeze %dma_start3A_530 : memref<1x125x80xi32, #tpu.memory_space<hbm>> -> memref<125x80xi32, #tpu.memory_space<hbm>>
      %dma_start3A_532 = arith.constant 0 : i32
      %dma_start3A_533 = arith.constant 0 : i32
      %dma_start3A_534 = tpu.memref_slice %arg2[%add3A, %dma_start3A_532, %dma_start3A_533] : memref<32x125x80xi32, #tpu.memory_space<hbm>> -> memref<1x125x80xi32, #tpu.memory_space<hbm>>
      %dma_start3A_535 = tpu.memref_squeeze %dma_start3A_534 : memref<1x125x80xi32, #tpu.memory_space<hbm>> -> memref<125x80xi32, #tpu.memory_space<hbm>>
      tpu.enqueue_dma source(%dma_start3A_535 : memref<125x80xi32, #tpu.memory_space<hbm>>) target(%arg5 : memref<125x80xi32, #tpu.memory_space<vmem>>) target_semaphore(%run_scoped3A : memref<!tpu.dma_semaphore, #tpu.memory_space<semaphore_mem>>)
      %dma_wait3A_536 = arith.constant 0 : i32
      %dma_wait3A_537 = arith.constant 0 : i32
      %dma_wait3A_538 = tpu.memref_slice %arg2[%add3A, %dma_wait3A_536, %dma_wait3A_537] : memref<32x125x80xi32, #tpu.memory_space<hbm>> -> memref<1x125x80xi32, #tpu.memory_space<hbm>>
      %dma_wait3A_539 = tpu.memref_squeeze %dma_wait3A_538 : memref<1x125x80xi32, #tpu.memory_space<hbm>> -> memref<125x80xi32, #tpu.memory_space<hbm>>
      %dma_wait3A_540 = arith.constant 0 : i32
      %dma_wait3A_541 = arith.constant 0 : i32
      %dma_wait3A_542 = tpu.memref_slice %arg2[%add3A, %dma_wait3A_540, %dma_wait3A_541] : memref<32x125x80xi32, #tpu.memory_space<hbm>> -> memref<1x125x80xi32, #tpu.memory_space<hbm>>
      %dma_wait3A_543 = tpu.memref_squeeze %dma_wait3A_542 : memref<1x125x80xi32, #tpu.memory_space<hbm>> -> memref<125x80xi32, #tpu.memory_space<hbm>>
      tpu.wait_dma2 semaphore(%run_scoped3A : memref<!tpu.dma_semaphore, #tpu.memory_space<semaphore_mem>>) src(%dma_wait3A_543 : memref<125x80xi32, #tpu.memory_space<hbm>>) dst(%arg5 : memref<125x80xi32, #tpu.memory_space<vmem>>)
      tpu.yield
    }) : () -> ()
    %eq3A = arith.constant 0 : i32
    %eq3A_3 = arith.cmpi eq, %arg1, %eq3A : i32
    %convert_element_type3A = arith.extui %eq3A_3 : i1 to i32
    %cond3A = arith.constant 0 : i32
    %cond3A_4 = arith.cmpi ne, %convert_element_type3A, %cond3A : i32
    scf.if %cond3A_4 {
      "tpu.region"() ({
        %run_scoped3A = tpu.sem_alloc : memref<!tpu.dma_semaphore, #tpu.memory_space<semaphore_mem>>
        tpu.enqueue_dma source(%arg3 : memref<4x128xf32, #tpu.memory_space<hbm>>) target(%arg6 : memref<4x128xf32, #tpu.memory_space<vmem_shared>>) target_semaphore(%run_scoped3A : memref<!tpu.dma_semaphore, #tpu.memory_space<semaphore_mem>>)
        tpu.wait_dma2 semaphore(%run_scoped3A : memref<!tpu.dma_semaphore, #tpu.memory_space<semaphore_mem>>) src(%arg3 : memref<4x128xf32, #tpu.memory_space<hbm>>) dst(%arg6 : memref<4x128xf32, #tpu.memory_space<vmem_shared>>)
        tpu.yield
      }) : () -> ()
    } else {
    }
    %barrier3A = arith.constant 0 : index
    tpu.barrier barrier_id(%barrier3A)
    %dma_start3A = arith.constant 0 : i32
    %dma_start3A_5 = arith.constant 0 : i32
    %dma_start3A_6 = arith.constant 0 : i32
    %dma_start3A_7 = arith.constant 0 : i32
    %dma_start3A_8 = tpu.memref_slice %arg7[%dma_start3A_5, %dma_start3A_6, %dma_start3A_7] : memref<5x80x128xf32, #tpu.memory_space<vmem>> -> memref<1x80x128xf32, #tpu.memory_space<vmem>>
    %dma_start3A_9 = tpu.memref_squeeze %dma_start3A_8 : memref<1x80x128xf32, #tpu.memory_space<vmem>> -> memref<80x128xf32, #tpu.memory_space<vmem>>
    %dma_start3A_10 = arith.constant 0 : i32
    %dma_start3A_11 = tpu.memref_slice %arg5[%dma_start3A, %dma_start3A_10] : memref<125x80xi32, #tpu.memory_space<vmem>> -> memref<1x80xi32, #tpu.memory_space<vmem>>
    %dma_start3A_12 = tpu.memref_squeeze %dma_start3A_11 : memref<1x80xi32, #tpu.memory_space<vmem>> -> memref<80xi32, #tpu.memory_space<vmem>>
    %dma_start3A_13 = arith.constant 0 : i32
    %dma_start3A_14 = arith.constant 0 : i32
    %dma_start3A_15 = tpu.memref_slice %arg6[%dma_start3A_13, %dma_start3A_14] : memref<4x128xf32, #tpu.memory_space<vmem_shared>> -> memref<4x128xf32, #tpu.memory_space<vmem_shared>>
    tpu.enqueue_indirect_dma source(%dma_start3A_15 : memref<4x128xf32, #tpu.memory_space<vmem_shared>>) target(%dma_start3A_9 : memref<80x128xf32, #tpu.memory_space<vmem>>) offsets(%dma_start3A_12 : memref<80xi32, #tpu.memory_space<vmem>>) semaphore(%arg8 : memref<!tpu.dma_semaphore, #tpu.memory_space<semaphore_mem>>)
    %dma_start3A_16 = arith.constant 1 : i32
    %dma_start3A_17 = arith.constant 1 : i32
    %dma_start3A_18 = arith.constant 0 : i32
    %dma_start3A_19 = arith.constant 0 : i32
    %dma_start3A_20 = tpu.memref_slice %arg7[%dma_start3A_17, %dma_start3A_18, %dma_start3A_19] : memref<5x80x128xf32, #tpu.memory_space<vmem>> -> memref<1x80x128xf32, #tpu.memory_space<vmem>>
    %dma_start3A_21 = tpu.memref_squeeze %dma_start3A_20 : memref<1x80x128xf32, #tpu.memory_space<vmem>> -> memref<80x128xf32, #tpu.memory_space<vmem>>
    %dma_start3A_22 = arith.constant 0 : i32
    %dma_start3A_23 = tpu.memref_slice %arg5[%dma_start3A_16, %dma_start3A_22] : memref<125x80xi32, #tpu.memory_space<vmem>> -> memref<1x80xi32, #tpu.memory_space<vmem>>
    %dma_start3A_24 = tpu.memref_squeeze %dma_start3A_23 : memref<1x80xi32, #tpu.memory_space<vmem>> -> memref<80xi32, #tpu.memory_space<vmem>>
    %dma_start3A_25 = arith.constant 0 : i32
    %dma_start3A_26 = arith.constant 0 : i32
    %dma_start3A_27 = tpu.memref_slice %arg6[%dma_start3A_25, %dma_start3A_26] : memref<4x128xf32, #tpu.memory_space<vmem_shared>> -> memref<4x128xf32, #tpu.memory_space<vmem_shared>>
    tpu.enqueue_indirect_dma source(%dma_start3A_27 : memref<4x128xf32, #tpu.memory_space<vmem_shared>>) target(%dma_start3A_21 : memref<80x128xf32, #tpu.memory_space<vmem>>) offsets(%dma_start3A_24 : memref<80xi32, #tpu.memory_space<vmem>>) semaphore(%arg9 : memref<!tpu.dma_semaphore, #tpu.memory_space<semaphore_mem>>)
    %dma_start3A_28 = arith.constant 2 : i32
    %dma_start3A_29 = arith.constant 2 : i32
    %dma_start3A_30 = arith.constant 0 : i32
    %dma_start3A_31 = arith.constant 0 : i32
    %dma_start3A_32 = tpu.memref_slice %arg7[%dma_start3A_29, %dma_start3A_30, %dma_start3A_31] : memref<5x80x128xf32, #tpu.memory_space<vmem>> -> memref<1x80x128xf32, #tpu.memory_space<vmem>>
    %dma_start3A_33 = tpu.memref_squeeze %dma_start3A_32 : memref<1x80x128xf32, #tpu.memory_space<vmem>> -> memref<80x128xf32, #tpu.memory_space<vmem>>
    %dma_start3A_34 = arith.constant 0 : i32
    %dma_start3A_35 = tpu.memref_slice %arg5[%dma_start3A_28, %dma_start3A_34] : memref<125x80xi32, #tpu.memory_space<vmem>> -> memref<1x80xi32, #tpu.memory_space<vmem>>
    %dma_start3A_36 = tpu.memref_squeeze %dma_start3A_35 : memref<1x80xi32, #tpu.memory_space<vmem>> -> memref<80xi32, #tpu.memory_space<vmem>>
    %dma_start3A_37 = arith.constant 0 : i32
    %dma_start3A_38 = arith.constant 0 : i32
    %dma_start3A_39 = tpu.memref_slice %arg6[%dma_start3A_37, %dma_start3A_38] : memref<4x128xf32, #tpu.memory_space<vmem_shared>> -> memref<4x128xf32, #tpu.memory_space<vmem_shared>>
    tpu.enqueue_indirect_dma source(%dma_start3A_39 : memref<4x128xf32, #tpu.memory_space<vmem_shared>>) target(%dma_start3A_33 : memref<80x128xf32, #tpu.memory_space<vmem>>) offsets(%dma_start3A_36 : memref<80xi32, #tpu.memory_space<vmem>>) semaphore(%arg10 : memref<!tpu.dma_semaphore, #tpu.memory_space<semaphore_mem>>)
    %dma_wait3A = arith.constant 0 : i32
    %dma_wait3A_40 = arith.constant 0 : i32
    %dma_wait3A_41 = arith.constant 0 : i32
    %dma_wait3A_42 = arith.constant 0 : i32
    %dma_wait3A_43 = tpu.memref_slice %arg7[%dma_wait3A_40, %dma_wait3A_41, %dma_wait3A_42] : memref<5x80x128xf32, #tpu.memory_space<vmem>> -> memref<1x80x128xf32, #tpu.memory_space<vmem>>
    %dma_wait3A_44 = tpu.memref_squeeze %dma_wait3A_43 : memref<1x80x128xf32, #tpu.memory_space<vmem>> -> memref<80x128xf32, #tpu.memory_space<vmem>>
    %dma_wait3A_45 = arith.constant 0 : i32
    %dma_wait3A_46 = tpu.memref_slice %arg5[%dma_wait3A, %dma_wait3A_45] : memref<125x80xi32, #tpu.memory_space<vmem>> -> memref<1x80xi32, #tpu.memory_space<vmem>>
    %dma_wait3A_47 = tpu.memref_squeeze %dma_wait3A_46 : memref<1x80xi32, #tpu.memory_space<vmem>> -> memref<80xi32, #tpu.memory_space<vmem>>
    %dma_wait3A_48 = arith.constant 0 : i32
    %dma_wait3A_49 = arith.constant 0 : i32
    %dma_wait3A_50 = tpu.memref_slice %arg6[%dma_wait3A_48, %dma_wait3A_49] : memref<4x128xf32, #tpu.memory_space<vmem_shared>> -> memref<4x128xf32, #tpu.memory_space<vmem_shared>>
    tpu.wait_indirect_dma semaphore(%arg8 : memref<!tpu.dma_semaphore, #tpu.memory_space<semaphore_mem>>) src(%dma_wait3A_50 : memref<4x128xf32, #tpu.memory_space<vmem_shared>>) dst(%dma_wait3A_44 : memref<80x128xf32, #tpu.memory_space<vmem>>)
    %add3A_51 = arith.constant 0 : i32
    %add3A_52 = arith.addi %mul3A_2, %add3A_51 : i32
    %dma_start3A_53 = arith.constant 0 : i32
    %dma_start3A_54 = arith.constant 0 : i32
    %dma_start3A_55 = arith.constant 0 : i32
    %dma_start3A_56 = tpu.memref_slice %arg7[%dma_start3A_53, %dma_start3A_54, %dma_start3A_55] : memref<5x80x128xf32, #tpu.memory_space<vmem>> -> memref<1x80x128xf32, #tpu.memory_space<vmem>>
    %dma_start3A_57 = tpu.memref_squeeze %dma_start3A_56 : memref<1x80x128xf32, #tpu.memory_space<vmem>> -> memref<80x128xf32, #tpu.memory_space<vmem>>
    %dma_start3A_58 = arith.constant 0 : i32
    %dma_start3A_59 = tpu.memref_slice %arg4[%add3A_52, %dma_start3A_58] : memref<320000x128xf32, #tpu.memory_space<hbm>> -> memref<80x128xf32, #tpu.memory_space<hbm>>
    %dma_start3A_60 = arith.constant 0 : i32
    %dma_start3A_61 = tpu.memref_slice %arg4[%add3A_52, %dma_start3A_60] : memref<320000x128xf32, #tpu.memory_space<hbm>> -> memref<80x128xf32, #tpu.memory_space<hbm>>
    %dma_start3A_62 = arith.constant 0 : i32
    %dma_start3A_63 = arith.constant 0 : i32
    %dma_start3A_64 = tpu.memref_slice %arg7[%dma_start3A_53, %dma_start3A_62, %dma_start3A_63] : memref<5x80x128xf32, #tpu.memory_space<vmem>> -> memref<1x80x128xf32, #tpu.memory_space<vmem>>
    %dma_start3A_65 = tpu.memref_squeeze %dma_start3A_64 : memref<1x80x128xf32, #tpu.memory_space<vmem>> -> memref<80x128xf32, #tpu.memory_space<vmem>>
    tpu.enqueue_dma source(%dma_start3A_65 : memref<80x128xf32, #tpu.memory_space<vmem>>) target(%dma_start3A_61 : memref<80x128xf32, #tpu.memory_space<hbm>>) target_semaphore(%arg13 : memref<!tpu.dma_semaphore, #tpu.memory_space<semaphore_mem>>)
    %dma_start3A_66 = arith.constant 3 : i32
    %dma_start3A_67 = arith.constant 3 : i32
    %dma_start3A_68 = arith.constant 0 : i32
    %dma_start3A_69 = arith.constant 0 : i32
    %dma_start3A_70 = tpu.memref_slice %arg7[%dma_start3A_67, %dma_start3A_68, %dma_start3A_69] : memref<5x80x128xf32, #tpu.memory_space<vmem>> -> memref<1x80x128xf32, #tpu.memory_space<vmem>>
    %dma_start3A_71 = tpu.memref_squeeze %dma_start3A_70 : memref<1x80x128xf32, #tpu.memory_space<vmem>> -> memref<80x128xf32, #tpu.memory_space<vmem>>
    %dma_start3A_72 = arith.constant 0 : i32
    %dma_start3A_73 = tpu.memref_slice %arg5[%dma_start3A_66, %dma_start3A_72] : memref<125x80xi32, #tpu.memory_space<vmem>> -> memref<1x80xi32, #tpu.memory_space<vmem>>
    %dma_start3A_74 = tpu.memref_squeeze %dma_start3A_73 : memref<1x80xi32, #tpu.memory_space<vmem>> -> memref<80xi32, #tpu.memory_space<vmem>>
    %dma_start3A_75 = arith.constant 0 : i32
    %dma_start3A_76 = arith.constant 0 : i32
    %dma_start3A_77 = tpu.memref_slice %arg6[%dma_start3A_75, %dma_start3A_76] : memref<4x128xf32, #tpu.memory_space<vmem_shared>> -> memref<4x128xf32, #tpu.memory_space<vmem_shared>>
    tpu.enqueue_indirect_dma source(%dma_start3A_77 : memref<4x128xf32, #tpu.memory_space<vmem_shared>>) target(%dma_start3A_71 : memref<80x128xf32, #tpu.memory_space<vmem>>) offsets(%dma_start3A_74 : memref<80xi32, #tpu.memory_space<vmem>>) semaphore(%arg11 : memref<!tpu.dma_semaphore, #tpu.memory_space<semaphore_mem>>)
    %dma_wait3A_78 = arith.constant 1 : i32
    %dma_wait3A_79 = arith.constant 1 : i32
    %dma_wait3A_80 = arith.constant 0 : i32
    %dma_wait3A_81 = arith.constant 0 : i32
    %dma_wait3A_82 = tpu.memref_slice %arg7[%dma_wait3A_79, %dma_wait3A_80, %dma_wait3A_81] : memref<5x80x128xf32, #tpu.memory_space<vmem>> -> memref<1x80x128xf32, #tpu.memory_space<vmem>>
    %dma_wait3A_83 = tpu.memref_squeeze %dma_wait3A_82 : memref<1x80x128xf32, #tpu.memory_space<vmem>> -> memref<80x128xf32, #tpu.memory_space<vmem>>
    %dma_wait3A_84 = arith.constant 0 : i32
    %dma_wait3A_85 = tpu.memref_slice %arg5[%dma_wait3A_78, %dma_wait3A_84] : memref<125x80xi32, #tpu.memory_space<vmem>> -> memref<1x80xi32, #tpu.memory_space<vmem>>
    %dma_wait3A_86 = tpu.memref_squeeze %dma_wait3A_85 : memref<1x80xi32, #tpu.memory_space<vmem>> -> memref<80xi32, #tpu.memory_space<vmem>>
    %dma_wait3A_87 = arith.constant 0 : i32
    %dma_wait3A_88 = arith.constant 0 : i32
    %dma_wait3A_89 = tpu.memref_slice %arg6[%dma_wait3A_87, %dma_wait3A_88] : memref<4x128xf32, #tpu.memory_space<vmem_shared>> -> memref<4x128xf32, #tpu.memory_space<vmem_shared>>
    tpu.wait_indirect_dma semaphore(%arg9 : memref<!tpu.dma_semaphore, #tpu.memory_space<semaphore_mem>>) src(%dma_wait3A_89 : memref<4x128xf32, #tpu.memory_space<vmem_shared>>) dst(%dma_wait3A_83 : memref<80x128xf32, #tpu.memory_space<vmem>>)
    %add3A_90 = arith.constant 80 : i32
    %add3A_91 = arith.addi %mul3A_2, %add3A_90 : i32
    %dma_start3A_92 = arith.constant 1 : i32
    %dma_start3A_93 = arith.constant 0 : i32
    %dma_start3A_94 = arith.constant 0 : i32
    %dma_start3A_95 = tpu.memref_slice %arg7[%dma_start3A_92, %dma_start3A_93, %dma_start3A_94] : memref<5x80x128xf32, #tpu.memory_space<vmem>> -> memref<1x80x128xf32, #tpu.memory_space<vmem>>
    %dma_start3A_96 = tpu.memref_squeeze %dma_start3A_95 : memref<1x80x128xf32, #tpu.memory_space<vmem>> -> memref<80x128xf32, #tpu.memory_space<vmem>>
    %dma_start3A_97 = arith.constant 0 : i32
    %dma_start3A_98 = tpu.memref_slice %arg4[%add3A_91, %dma_start3A_97] : memref<320000x128xf32, #tpu.memory_space<hbm>> -> memref<80x128xf32, #tpu.memory_space<hbm>>
    %dma_start3A_99 = arith.constant 0 : i32
    %dma_start3A_100 = tpu.memref_slice %arg4[%add3A_91, %dma_start3A_99] : memref<320000x128xf32, #tpu.memory_space<hbm>> -> memref<80x128xf32, #tpu.memory_space<hbm>>
    %dma_start3A_101 = arith.constant 0 : i32
    %dma_start3A_102 = arith.constant 0 : i32
    %dma_start3A_103 = tpu.memref_slice %arg7[%dma_start3A_92, %dma_start3A_101, %dma_start3A_102] : memref<5x80x128xf32, #tpu.memory_space<vmem>> -> memref<1x80x128xf32, #tpu.memory_space<vmem>>
    %dma_start3A_104 = tpu.memref_squeeze %dma_start3A_103 : memref<1x80x128xf32, #tpu.memory_space<vmem>> -> memref<80x128xf32, #tpu.memory_space<vmem>>
    tpu.enqueue_dma source(%dma_start3A_104 : memref<80x128xf32, #tpu.memory_space<vmem>>) target(%dma_start3A_100 : memref<80x128xf32, #tpu.memory_space<hbm>>) target_semaphore(%arg14 : memref<!tpu.dma_semaphore, #tpu.memory_space<semaphore_mem>>)
    %dma_start3A_105 = arith.constant 4 : i32
    %dma_start3A_106 = arith.constant 4 : i32
    %dma_start3A_107 = arith.constant 0 : i32
    %dma_start3A_108 = arith.constant 0 : i32
    %dma_start3A_109 = tpu.memref_slice %arg7[%dma_start3A_106, %dma_start3A_107, %dma_start3A_108] : memref<5x80x128xf32, #tpu.memory_space<vmem>> -> memref<1x80x128xf32, #tpu.memory_space<vmem>>
    %dma_start3A_110 = tpu.memref_squeeze %dma_start3A_109 : memref<1x80x128xf32, #tpu.memory_space<vmem>> -> memref<80x128xf32, #tpu.memory_space<vmem>>
    %dma_start3A_111 = arith.constant 0 : i32
    %dma_start3A_112 = tpu.memref_slice %arg5[%dma_start3A_105, %dma_start3A_111] : memref<125x80xi32, #tpu.memory_space<vmem>> -> memref<1x80xi32, #tpu.memory_space<vmem>>
    %dma_start3A_113 = tpu.memref_squeeze %dma_start3A_112 : memref<1x80xi32, #tpu.memory_space<vmem>> -> memref<80xi32, #tpu.memory_space<vmem>>
    %dma_start3A_114 = arith.constant 0 : i32
    %dma_start3A_115 = arith.constant 0 : i32
    %dma_start3A_116 = tpu.memref_slice %arg6[%dma_start3A_114, %dma_start3A_115] : memref<4x128xf32, #tpu.memory_space<vmem_shared>> -> memref<4x128xf32, #tpu.memory_space<vmem_shared>>
    tpu.enqueue_indirect_dma source(%dma_start3A_116 : memref<4x128xf32, #tpu.memory_space<vmem_shared>>) target(%dma_start3A_110 : memref<80x128xf32, #tpu.memory_space<vmem>>) offsets(%dma_start3A_113 : memref<80xi32, #tpu.memory_space<vmem>>) semaphore(%arg12 : memref<!tpu.dma_semaphore, #tpu.memory_space<semaphore_mem>>)
    %dma_wait3A_117 = arith.constant 2 : i32
    %dma_wait3A_118 = arith.constant 2 : i32
    %dma_wait3A_119 = arith.constant 0 : i32
    %dma_wait3A_120 = arith.constant 0 : i32
    %dma_wait3A_121 = tpu.memref_slice %arg7[%dma_wait3A_118, %dma_wait3A_119, %dma_wait3A_120] : memref<5x80x128xf32, #tpu.memory_space<vmem>> -> memref<1x80x128xf32, #tpu.memory_space<vmem>>
    %dma_wait3A_122 = tpu.memref_squeeze %dma_wait3A_121 : memref<1x80x128xf32, #tpu.memory_space<vmem>> -> memref<80x128xf32, #tpu.memory_space<vmem>>
    %dma_wait3A_123 = arith.constant 0 : i32
    %dma_wait3A_124 = tpu.memref_slice %arg5[%dma_wait3A_117, %dma_wait3A_123] : memref<125x80xi32, #tpu.memory_space<vmem>> -> memref<1x80xi32, #tpu.memory_space<vmem>>
    %dma_wait3A_125 = tpu.memref_squeeze %dma_wait3A_124 : memref<1x80xi32, #tpu.memory_space<vmem>> -> memref<80xi32, #tpu.memory_space<vmem>>
    %dma_wait3A_126 = arith.constant 0 : i32
    %dma_wait3A_127 = arith.constant 0 : i32
    %dma_wait3A_128 = tpu.memref_slice %arg6[%dma_wait3A_126, %dma_wait3A_127] : memref<4x128xf32, #tpu.memory_space<vmem_shared>> -> memref<4x128xf32, #tpu.memory_space<vmem_shared>>
    tpu.wait_indirect_dma semaphore(%arg10 : memref<!tpu.dma_semaphore, #tpu.memory_space<semaphore_mem>>) src(%dma_wait3A_128 : memref<4x128xf32, #tpu.memory_space<vmem_shared>>) dst(%dma_wait3A_122 : memref<80x128xf32, #tpu.memory_space<vmem>>)
    %add3A_129 = arith.constant 160 : i32
    %add3A_130 = arith.addi %mul3A_2, %add3A_129 : i32
    %dma_start3A_131 = arith.constant 2 : i32
    %dma_start3A_132 = arith.constant 0 : i32
    %dma_start3A_133 = arith.constant 0 : i32
    %dma_start3A_134 = tpu.memref_slice %arg7[%dma_start3A_131, %dma_start3A_132, %dma_start3A_133] : memref<5x80x128xf32, #tpu.memory_space<vmem>> -> memref<1x80x128xf32, #tpu.memory_space<vmem>>
    %dma_start3A_135 = tpu.memref_squeeze %dma_start3A_134 : memref<1x80x128xf32, #tpu.memory_space<vmem>> -> memref<80x128xf32, #tpu.memory_space<vmem>>
    %dma_start3A_136 = arith.constant 0 : i32
    %dma_start3A_137 = tpu.memref_slice %arg4[%add3A_130, %dma_start3A_136] : memref<320000x128xf32, #tpu.memory_space<hbm>> -> memref<80x128xf32, #tpu.memory_space<hbm>>
    %dma_start3A_138 = arith.constant 0 : i32
    %dma_start3A_139 = tpu.memref_slice %arg4[%add3A_130, %dma_start3A_138] : memref<320000x128xf32, #tpu.memory_space<hbm>> -> memref<80x128xf32, #tpu.memory_space<hbm>>
    %dma_start3A_140 = arith.constant 0 : i32
    %dma_start3A_141 = arith.constant 0 : i32
    %dma_start3A_142 = tpu.memref_slice %arg7[%dma_start3A_131, %dma_start3A_140, %dma_start3A_141] : memref<5x80x128xf32, #tpu.memory_space<vmem>> -> memref<1x80x128xf32, #tpu.memory_space<vmem>>
    %dma_start3A_143 = tpu.memref_squeeze %dma_start3A_142 : memref<1x80x128xf32, #tpu.memory_space<vmem>> -> memref<80x128xf32, #tpu.memory_space<vmem>>
    tpu.enqueue_dma source(%dma_start3A_143 : memref<80x128xf32, #tpu.memory_space<vmem>>) target(%dma_start3A_139 : memref<80x128xf32, #tpu.memory_space<hbm>>) target_semaphore(%arg15 : memref<!tpu.dma_semaphore, #tpu.memory_space<semaphore_mem>>)
    %dma_wait3A_144 = arith.constant 0 : i32
    %dma_wait3A_145 = arith.constant 0 : i32
    %dma_wait3A_146 = arith.constant 0 : i32
    %dma_wait3A_147 = tpu.memref_slice %arg7[%dma_wait3A_144, %dma_wait3A_145, %dma_wait3A_146] : memref<5x80x128xf32, #tpu.memory_space<vmem>> -> memref<1x80x128xf32, #tpu.memory_space<vmem>>
    %dma_wait3A_148 = tpu.memref_squeeze %dma_wait3A_147 : memref<1x80x128xf32, #tpu.memory_space<vmem>> -> memref<80x128xf32, #tpu.memory_space<vmem>>
    %dma_wait3A_149 = arith.constant 0 : i32
    %dma_wait3A_150 = tpu.memref_slice %arg4[%mul3A_2, %dma_wait3A_149] : memref<320000x128xf32, #tpu.memory_space<hbm>> -> memref<80x128xf32, #tpu.memory_space<hbm>>
    %dma_wait3A_151 = arith.constant 0 : i32
    %dma_wait3A_152 = tpu.memref_slice %arg4[%mul3A_2, %dma_wait3A_151] : memref<320000x128xf32, #tpu.memory_space<hbm>> -> memref<80x128xf32, #tpu.memory_space<hbm>>
    %dma_wait3A_153 = arith.constant 0 : i32
    %dma_wait3A_154 = arith.constant 0 : i32
    %dma_wait3A_155 = tpu.memref_slice %arg7[%dma_wait3A_144, %dma_wait3A_153, %dma_wait3A_154] : memref<5x80x128xf32, #tpu.memory_space<vmem>> -> memref<1x80x128xf32, #tpu.memory_space<vmem>>
    %dma_wait3A_156 = tpu.memref_squeeze %dma_wait3A_155 : memref<1x80x128xf32, #tpu.memory_space<vmem>> -> memref<80x128xf32, #tpu.memory_space<vmem>>
    tpu.wait_dma2 semaphore(%arg13 : memref<!tpu.dma_semaphore, #tpu.memory_space<semaphore_mem>>) src(%dma_wait3A_156 : memref<80x128xf32, #tpu.memory_space<vmem>>) dst(%dma_wait3A_152 : memref<80x128xf32, #tpu.memory_space<hbm>>)
    %dma_start3A_157 = arith.constant 5 : i32
    %dma_start3A_158 = arith.constant 0 : i32
    %dma_start3A_159 = arith.constant 0 : i32
    %dma_start3A_160 = arith.constant 0 : i32
    %dma_start3A_161 = tpu.memref_slice %arg7[%dma_start3A_158, %dma_start3A_159, %dma_start3A_160] : memref<5x80x128xf32, #tpu.memory_space<vmem>> -> memref<1x80x128xf32, #tpu.memory_space<vmem>>
    %dma_start3A_162 = tpu.memref_squeeze %dma_start3A_161 : memref<1x80x128xf32, #tpu.memory_space<vmem>> -> memref<80x128xf32, #tpu.memory_space<vmem>>
    %dma_start3A_163 = arith.constant 0 : i32
    %dma_start3A_164 = tpu.memref_slice %arg5[%dma_start3A_157, %dma_start3A_163] : memref<125x80xi32, #tpu.memory_space<vmem>> -> memref<1x80xi32, #tpu.memory_space<vmem>>
    %dma_start3A_165 = tpu.memref_squeeze %dma_start3A_164 : memref<1x80xi32, #tpu.memory_space<vmem>> -> memref<80xi32, #tpu.memory_space<vmem>>
    %dma_start3A_166 = arith.constant 0 : i32
    %dma_start3A_167 = arith.constant 0 : i32
    %dma_start3A_168 = tpu.memref_slice %arg6[%dma_start3A_166, %dma_start3A_167] : memref<4x128xf32, #tpu.memory_space<vmem_shared>> -> memref<4x128xf32, #tpu.memory_space<vmem_shared>>
    tpu.enqueue_indirect_dma source(%dma_start3A_168 : memref<4x128xf32, #tpu.memory_space<vmem_shared>>) target(%dma_start3A_162 : memref<80x128xf32, #tpu.memory_space<vmem>>) offsets(%dma_start3A_165 : memref<80xi32, #tpu.memory_space<vmem>>) semaphore(%arg8 : memref<!tpu.dma_semaphore, #tpu.memory_space<semaphore_mem>>)
    %dma_wait3A_169 = arith.constant 3 : i32
    %dma_wait3A_170 = arith.constant 3 : i32
    %dma_wait3A_171 = arith.constant 0 : i32
    %dma_wait3A_172 = arith.constant 0 : i32
    %dma_wait3A_173 = tpu.memref_slice %arg7[%dma_wait3A_170, %dma_wait3A_171, %dma_wait3A_172] : memref<5x80x128xf32, #tpu.memory_space<vmem>> -> memref<1x80x128xf32, #tpu.memory_space<vmem>>
    %dma_wait3A_174 = tpu.memref_squeeze %dma_wait3A_173 : memref<1x80x128xf32, #tpu.memory_space<vmem>> -> memref<80x128xf32, #tpu.memory_space<vmem>>
    %dma_wait3A_175 = arith.constant 0 : i32
    %dma_wait3A_176 = tpu.memref_slice %arg5[%dma_wait3A_169, %dma_wait3A_175] : memref<125x80xi32, #tpu.memory_space<vmem>> -> memref<1x80xi32, #tpu.memory_space<vmem>>
    %dma_wait3A_177 = tpu.memref_squeeze %dma_wait3A_176 : memref<1x80xi32, #tpu.memory_space<vmem>> -> memref<80xi32, #tpu.memory_space<vmem>>
    %dma_wait3A_178 = arith.constant 0 : i32
    %dma_wait3A_179 = arith.constant 0 : i32
    %dma_wait3A_180 = tpu.memref_slice %arg6[%dma_wait3A_178, %dma_wait3A_179] : memref<4x128xf32, #tpu.memory_space<vmem_shared>> -> memref<4x128xf32, #tpu.memory_space<vmem_shared>>
    tpu.wait_indirect_dma semaphore(%arg11 : memref<!tpu.dma_semaphore, #tpu.memory_space<semaphore_mem>>) src(%dma_wait3A_180 : memref<4x128xf32, #tpu.memory_space<vmem_shared>>) dst(%dma_wait3A_174 : memref<80x128xf32, #tpu.memory_space<vmem>>)
    %add3A_181 = arith.constant 240 : i32
    %add3A_182 = arith.addi %mul3A_2, %add3A_181 : i32
    %dma_start3A_183 = arith.constant 3 : i32
    %dma_start3A_184 = arith.constant 0 : i32
    %dma_start3A_185 = arith.constant 0 : i32
    %dma_start3A_186 = tpu.memref_slice %arg7[%dma_start3A_183, %dma_start3A_184, %dma_start3A_185] : memref<5x80x128xf32, #tpu.memory_space<vmem>> -> memref<1x80x128xf32, #tpu.memory_space<vmem>>
    %dma_start3A_187 = tpu.memref_squeeze %dma_start3A_186 : memref<1x80x128xf32, #tpu.memory_space<vmem>> -> memref<80x128xf32, #tpu.memory_space<vmem>>
    %dma_start3A_188 = arith.constant 0 : i32
    %dma_start3A_189 = tpu.memref_slice %arg4[%add3A_182, %dma_start3A_188] : memref<320000x128xf32, #tpu.memory_space<hbm>> -> memref<80x128xf32, #tpu.memory_space<hbm>>
    %dma_start3A_190 = arith.constant 0 : i32
    %dma_start3A_191 = tpu.memref_slice %arg4[%add3A_182, %dma_start3A_190] : memref<320000x128xf32, #tpu.memory_space<hbm>> -> memref<80x128xf32, #tpu.memory_space<hbm>>
    %dma_start3A_192 = arith.constant 0 : i32
    %dma_start3A_193 = arith.constant 0 : i32
    %dma_start3A_194 = tpu.memref_slice %arg7[%dma_start3A_183, %dma_start3A_192, %dma_start3A_193] : memref<5x80x128xf32, #tpu.memory_space<vmem>> -> memref<1x80x128xf32, #tpu.memory_space<vmem>>
    %dma_start3A_195 = tpu.memref_squeeze %dma_start3A_194 : memref<1x80x128xf32, #tpu.memory_space<vmem>> -> memref<80x128xf32, #tpu.memory_space<vmem>>
    tpu.enqueue_dma source(%dma_start3A_195 : memref<80x128xf32, #tpu.memory_space<vmem>>) target(%dma_start3A_191 : memref<80x128xf32, #tpu.memory_space<hbm>>) target_semaphore(%arg16 : memref<!tpu.dma_semaphore, #tpu.memory_space<semaphore_mem>>)
    %dma_wait3A_196 = arith.constant 1 : i32
    %dma_wait3A_197 = arith.constant 0 : i32
    %dma_wait3A_198 = arith.constant 0 : i32
    %dma_wait3A_199 = tpu.memref_slice %arg7[%dma_wait3A_196, %dma_wait3A_197, %dma_wait3A_198] : memref<5x80x128xf32, #tpu.memory_space<vmem>> -> memref<1x80x128xf32, #tpu.memory_space<vmem>>
    %dma_wait3A_200 = tpu.memref_squeeze %dma_wait3A_199 : memref<1x80x128xf32, #tpu.memory_space<vmem>> -> memref<80x128xf32, #tpu.memory_space<vmem>>
    %dma_wait3A_201 = arith.constant 0 : i32
    %dma_wait3A_202 = tpu.memref_slice %arg4[%mul3A_2, %dma_wait3A_201] : memref<320000x128xf32, #tpu.memory_space<hbm>> -> memref<80x128xf32, #tpu.memory_space<hbm>>
    %dma_wait3A_203 = arith.constant 0 : i32
    %dma_wait3A_204 = tpu.memref_slice %arg4[%mul3A_2, %dma_wait3A_203] : memref<320000x128xf32, #tpu.memory_space<hbm>> -> memref<80x128xf32, #tpu.memory_space<hbm>>
    %dma_wait3A_205 = arith.constant 0 : i32
    %dma_wait3A_206 = arith.constant 0 : i32
    %dma_wait3A_207 = tpu.memref_slice %arg7[%dma_wait3A_196, %dma_wait3A_205, %dma_wait3A_206] : memref<5x80x128xf32, #tpu.memory_space<vmem>> -> memref<1x80x128xf32, #tpu.memory_space<vmem>>
    %dma_wait3A_208 = tpu.memref_squeeze %dma_wait3A_207 : memref<1x80x128xf32, #tpu.memory_space<vmem>> -> memref<80x128xf32, #tpu.memory_space<vmem>>
    tpu.wait_dma2 semaphore(%arg14 : memref<!tpu.dma_semaphore, #tpu.memory_space<semaphore_mem>>) src(%dma_wait3A_208 : memref<80x128xf32, #tpu.memory_space<vmem>>) dst(%dma_wait3A_204 : memref<80x128xf32, #tpu.memory_space<hbm>>)
    %dma_start3A_209 = arith.constant 6 : i32
    %dma_start3A_210 = arith.constant 1 : i32
    %dma_start3A_211 = arith.constant 0 : i32
    %dma_start3A_212 = arith.constant 0 : i32
    %dma_start3A_213 = tpu.memref_slice %arg7[%dma_start3A_210, %dma_start3A_211, %dma_start3A_212] : memref<5x80x128xf32, #tpu.memory_space<vmem>> -> memref<1x80x128xf32, #tpu.memory_space<vmem>>
    %dma_start3A_214 = tpu.memref_squeeze %dma_start3A_213 : memref<1x80x128xf32, #tpu.memory_space<vmem>> -> memref<80x128xf32, #tpu.memory_space<vmem>>
    %dma_start3A_215 = arith.constant 0 : i32
    %dma_start3A_216 = tpu.memref_slice %arg5[%dma_start3A_209, %dma_start3A_215] : memref<125x80xi32, #tpu.memory_space<vmem>> -> memref<1x80xi32, #tpu.memory_space<vmem>>
    %dma_start3A_217 = tpu.memref_squeeze %dma_start3A_216 : memref<1x80xi32, #tpu.memory_space<vmem>> -> memref<80xi32, #tpu.memory_space<vmem>>
    %dma_start3A_218 = arith.constant 0 : i32
    %dma_start3A_219 = arith.constant 0 : i32
    %dma_start3A_220 = tpu.memref_slice %arg6[%dma_start3A_218, %dma_start3A_219] : memref<4x128xf32, #tpu.memory_space<vmem_shared>> -> memref<4x128xf32, #tpu.memory_space<vmem_shared>>
    tpu.enqueue_indirect_dma source(%dma_start3A_220 : memref<4x128xf32, #tpu.memory_space<vmem_shared>>) target(%dma_start3A_214 : memref<80x128xf32, #tpu.memory_space<vmem>>) offsets(%dma_start3A_217 : memref<80xi32, #tpu.memory_space<vmem>>) semaphore(%arg9 : memref<!tpu.dma_semaphore, #tpu.memory_space<semaphore_mem>>)
    %dma_wait3A_221 = arith.constant 4 : i32
    %dma_wait3A_222 = arith.constant 4 : i32
    %dma_wait3A_223 = arith.constant 0 : i32
    %dma_wait3A_224 = arith.constant 0 : i32
    %dma_wait3A_225 = tpu.memref_slice %arg7[%dma_wait3A_222, %dma_wait3A_223, %dma_wait3A_224] : memref<5x80x128xf32, #tpu.memory_space<vmem>> -> memref<1x80x128xf32, #tpu.memory_space<vmem>>
    %dma_wait3A_226 = tpu.memref_squeeze %dma_wait3A_225 : memref<1x80x128xf32, #tpu.memory_space<vmem>> -> memref<80x128xf32, #tpu.memory_space<vmem>>
    %dma_wait3A_227 = arith.constant 0 : i32
    %dma_wait3A_228 = tpu.memref_slice %arg5[%dma_wait3A_221, %dma_wait3A_227] : memref<125x80xi32, #tpu.memory_space<vmem>> -> memref<1x80xi32, #tpu.memory_space<vmem>>
    %dma_wait3A_229 = tpu.memref_squeeze %dma_wait3A_228 : memref<1x80xi32, #tpu.memory_space<vmem>> -> memref<80xi32, #tpu.memory_space<vmem>>
    %dma_wait3A_230 = arith.constant 0 : i32
    %dma_wait3A_231 = arith.constant 0 : i32
    %dma_wait3A_232 = tpu.memref_slice %arg6[%dma_wait3A_230, %dma_wait3A_231] : memref<4x128xf32, #tpu.memory_space<vmem_shared>> -> memref<4x128xf32, #tpu.memory_space<vmem_shared>>
    tpu.wait_indirect_dma semaphore(%arg12 : memref<!tpu.dma_semaphore, #tpu.memory_space<semaphore_mem>>) src(%dma_wait3A_232 : memref<4x128xf32, #tpu.memory_space<vmem_shared>>) dst(%dma_wait3A_226 : memref<80x128xf32, #tpu.memory_space<vmem>>)
    %add3A_233 = arith.constant 320 : i32
    %add3A_234 = arith.addi %mul3A_2, %add3A_233 : i32
    %dma_start3A_235 = arith.constant 4 : i32
    %dma_start3A_236 = arith.constant 0 : i32
    %dma_start3A_237 = arith.constant 0 : i32
    %dma_start3A_238 = tpu.memref_slice %arg7[%dma_start3A_235, %dma_start3A_236, %dma_start3A_237] : memref<5x80x128xf32, #tpu.memory_space<vmem>> -> memref<1x80x128xf32, #tpu.memory_space<vmem>>
    %dma_start3A_239 = tpu.memref_squeeze %dma_start3A_238 : memref<1x80x128xf32, #tpu.memory_space<vmem>> -> memref<80x128xf32, #tpu.memory_space<vmem>>
    %dma_start3A_240 = arith.constant 0 : i32
    %dma_start3A_241 = tpu.memref_slice %arg4[%add3A_234, %dma_start3A_240] : memref<320000x128xf32, #tpu.memory_space<hbm>> -> memref<80x128xf32, #tpu.memory_space<hbm>>
    %dma_start3A_242 = arith.constant 0 : i32
    %dma_start3A_243 = tpu.memref_slice %arg4[%add3A_234, %dma_start3A_242] : memref<320000x128xf32, #tpu.memory_space<hbm>> -> memref<80x128xf32, #tpu.memory_space<hbm>>
    %dma_start3A_244 = arith.constant 0 : i32
    %dma_start3A_245 = arith.constant 0 : i32
    %dma_start3A_246 = tpu.memref_slice %arg7[%dma_start3A_235, %dma_start3A_244, %dma_start3A_245] : memref<5x80x128xf32, #tpu.memory_space<vmem>> -> memref<1x80x128xf32, #tpu.memory_space<vmem>>
    %dma_start3A_247 = tpu.memref_squeeze %dma_start3A_246 : memref<1x80x128xf32, #tpu.memory_space<vmem>> -> memref<80x128xf32, #tpu.memory_space<vmem>>
    tpu.enqueue_dma source(%dma_start3A_247 : memref<80x128xf32, #tpu.memory_space<vmem>>) target(%dma_start3A_243 : memref<80x128xf32, #tpu.memory_space<hbm>>) target_semaphore(%arg17 : memref<!tpu.dma_semaphore, #tpu.memory_space<semaphore_mem>>)
    %dma_wait3A_248 = arith.constant 2 : i32
    %dma_wait3A_249 = arith.constant 0 : i32
    %dma_wait3A_250 = arith.constant 0 : i32
    %dma_wait3A_251 = tpu.memref_slice %arg7[%dma_wait3A_248, %dma_wait3A_249, %dma_wait3A_250] : memref<5x80x128xf32, #tpu.memory_space<vmem>> -> memref<1x80x128xf32, #tpu.memory_space<vmem>>
    %dma_wait3A_252 = tpu.memref_squeeze %dma_wait3A_251 : memref<1x80x128xf32, #tpu.memory_space<vmem>> -> memref<80x128xf32, #tpu.memory_space<vmem>>
    %dma_wait3A_253 = arith.constant 0 : i32
    %dma_wait3A_254 = tpu.memref_slice %arg4[%mul3A_2, %dma_wait3A_253] : memref<320000x128xf32, #tpu.memory_space<hbm>> -> memref<80x128xf32, #tpu.memory_space<hbm>>
    %dma_wait3A_255 = arith.constant 0 : i32
    %dma_wait3A_256 = tpu.memref_slice %arg4[%mul3A_2, %dma_wait3A_255] : memref<320000x128xf32, #tpu.memory_space<hbm>> -> memref<80x128xf32, #tpu.memory_space<hbm>>
    %dma_wait3A_257 = arith.constant 0 : i32
    %dma_wait3A_258 = arith.constant 0 : i32
    %dma_wait3A_259 = tpu.memref_slice %arg7[%dma_wait3A_248, %dma_wait3A_257, %dma_wait3A_258] : memref<5x80x128xf32, #tpu.memory_space<vmem>> -> memref<1x80x128xf32, #tpu.memory_space<vmem>>
    %dma_wait3A_260 = tpu.memref_squeeze %dma_wait3A_259 : memref<1x80x128xf32, #tpu.memory_space<vmem>> -> memref<80x128xf32, #tpu.memory_space<vmem>>
    tpu.wait_dma2 semaphore(%arg15 : memref<!tpu.dma_semaphore, #tpu.memory_space<semaphore_mem>>) src(%dma_wait3A_260 : memref<80x128xf32, #tpu.memory_space<vmem>>) dst(%dma_wait3A_256 : memref<80x128xf32, #tpu.memory_space<hbm>>)
    %dma_start3A_261 = arith.constant 7 : i32
    %dma_start3A_262 = arith.constant 2 : i32
    %dma_start3A_263 = arith.constant 0 : i32
    %dma_start3A_264 = arith.constant 0 : i32
    %dma_start3A_265 = tpu.memref_slice %arg7[%dma_start3A_262, %dma_start3A_263, %dma_start3A_264] : memref<5x80x128xf32, #tpu.memory_space<vmem>> -> memref<1x80x128xf32, #tpu.memory_space<vmem>>
    %dma_start3A_266 = tpu.memref_squeeze %dma_start3A_265 : memref<1x80x128xf32, #tpu.memory_space<vmem>> -> memref<80x128xf32, #tpu.memory_space<vmem>>
    %dma_start3A_267 = arith.constant 0 : i32
    %dma_start3A_268 = tpu.memref_slice %arg5[%dma_start3A_261, %dma_start3A_267] : memref<125x80xi32, #tpu.memory_space<vmem>> -> memref<1x80xi32, #tpu.memory_space<vmem>>
    %dma_start3A_269 = tpu.memref_squeeze %dma_start3A_268 : memref<1x80xi32, #tpu.memory_space<vmem>> -> memref<80xi32, #tpu.memory_space<vmem>>
    %dma_start3A_270 = arith.constant 0 : i32
    %dma_start3A_271 = arith.constant 0 : i32
    %dma_start3A_272 = tpu.memref_slice %arg6[%dma_start3A_270, %dma_start3A_271] : memref<4x128xf32, #tpu.memory_space<vmem_shared>> -> memref<4x128xf32, #tpu.memory_space<vmem_shared>>
    tpu.enqueue_indirect_dma source(%dma_start3A_272 : memref<4x128xf32, #tpu.memory_space<vmem_shared>>) target(%dma_start3A_266 : memref<80x128xf32, #tpu.memory_space<vmem>>) offsets(%dma_start3A_269 : memref<80xi32, #tpu.memory_space<vmem>>) semaphore(%arg10 : memref<!tpu.dma_semaphore, #tpu.memory_space<semaphore_mem>>)
    %scan3A = arith.constant 0 : i32
    %scan3A_273 = arith.constant 1 : i32
    %scan3A_274 = arith.constant 23 : i32
    %scan3A_275 = arith.addi %scan3A_273, %scan3A_274 : i32
    %scan3A_276 = arith.constant 1 : i32
    scf.for %scan3A_528 = %scan3A_273 to %scan3A_275 step %scan3A_276  : i32 {
      %mul3A_529 = arith.constant 5 : i32
      %mul3A_530 = arith.muli %scan3A_528, %mul3A_529 : i32
      %add3A_531 = arith.constant 0 : i32
      %add3A_532 = arith.addi %mul3A_530, %add3A_531 : i32
      %dma_wait3A_533 = arith.constant 0 : i32
      %dma_wait3A_534 = arith.constant 0 : i32
      %dma_wait3A_535 = arith.constant 0 : i32
      %dma_wait3A_536 = tpu.memref_slice %arg7[%dma_wait3A_533, %dma_wait3A_534, %dma_wait3A_535] : memref<5x80x128xf32, #tpu.memory_space<vmem>> -> memref<1x80x128xf32, #tpu.memory_space<vmem>>
      %dma_wait3A_537 = tpu.memref_squeeze %dma_wait3A_536 : memref<1x80x128xf32, #tpu.memory_space<vmem>> -> memref<80x128xf32, #tpu.memory_space<vmem>>
      %dma_wait3A_538 = arith.constant 0 : i32
      %dma_wait3A_539 = tpu.memref_slice %arg5[%add3A_532, %dma_wait3A_538] : memref<125x80xi32, #tpu.memory_space<vmem>> -> memref<1x80xi32, #tpu.memory_space<vmem>>
      %dma_wait3A_540 = tpu.memref_squeeze %dma_wait3A_539 : memref<1x80xi32, #tpu.memory_space<vmem>> -> memref<80xi32, #tpu.memory_space<vmem>>
      %dma_wait3A_541 = arith.constant 0 : i32
      %dma_wait3A_542 = arith.constant 0 : i32
      %dma_wait3A_543 = tpu.memref_slice %arg6[%dma_wait3A_541, %dma_wait3A_542] : memref<4x128xf32, #tpu.memory_space<vmem_shared>> -> memref<4x128xf32, #tpu.memory_space<vmem_shared>>
      tpu.wait_indirect_dma semaphore(%arg8 : memref<!tpu.dma_semaphore, #tpu.memory_space<semaphore_mem>>) src(%dma_wait3A_543 : memref<4x128xf32, #tpu.memory_space<vmem_shared>>) dst(%dma_wait3A_537 : memref<80x128xf32, #tpu.memory_space<vmem>>)
      %mul3A_544 = arith.constant 80 : i32
      %mul3A_545 = arith.muli %add3A_532, %mul3A_544 : i32
      %add3A_546 = arith.addi %mul3A_2, %mul3A_545 : i32
      %dma_start3A_547 = arith.constant 0 : i32
      %dma_start3A_548 = arith.constant 0 : i32
      %dma_start3A_549 = arith.constant 0 : i32
      %dma_start3A_550 = tpu.memref_slice %arg7[%dma_start3A_547, %dma_start3A_548, %dma_start3A_549] : memref<5x80x128xf32, #tpu.memory_space<vmem>> -> memref<1x80x128xf32, #tpu.memory_space<vmem>>
      %dma_start3A_551 = tpu.memref_squeeze %dma_start3A_550 : memref<1x80x128xf32, #tpu.memory_space<vmem>> -> memref<80x128xf32, #tpu.memory_space<vmem>>
      %dma_start3A_552 = arith.constant 0 : i32
      %dma_start3A_553 = tpu.memref_slice %arg4[%add3A_546, %dma_start3A_552] : memref<320000x128xf32, #tpu.memory_space<hbm>> -> memref<80x128xf32, #tpu.memory_space<hbm>>
      %dma_start3A_554 = arith.constant 0 : i32
      %dma_start3A_555 = tpu.memref_slice %arg4[%add3A_546, %dma_start3A_554] : memref<320000x128xf32, #tpu.memory_space<hbm>> -> memref<80x128xf32, #tpu.memory_space<hbm>>
      %dma_start3A_556 = arith.constant 0 : i32
      %dma_start3A_557 = arith.constant 0 : i32
      %dma_start3A_558 = tpu.memref_slice %arg7[%dma_start3A_547, %dma_start3A_556, %dma_start3A_557] : memref<5x80x128xf32, #tpu.memory_space<vmem>> -> memref<1x80x128xf32, #tpu.memory_space<vmem>>
      %dma_start3A_559 = tpu.memref_squeeze %dma_start3A_558 : memref<1x80x128xf32, #tpu.memory_space<vmem>> -> memref<80x128xf32, #tpu.memory_space<vmem>>
      tpu.enqueue_dma source(%dma_start3A_559 : memref<80x128xf32, #tpu.memory_space<vmem>>) target(%dma_start3A_555 : memref<80x128xf32, #tpu.memory_space<hbm>>) target_semaphore(%arg13 : memref<!tpu.dma_semaphore, #tpu.memory_space<semaphore_mem>>)
      %add3A_560 = arith.constant 3 : i32
      %add3A_561 = arith.addi %add3A_532, %add3A_560 : i32
      %dma_wait3A_562 = arith.constant 3 : i32
      %dma_wait3A_563 = arith.constant 0 : i32
      %dma_wait3A_564 = arith.constant 0 : i32
      %dma_wait3A_565 = tpu.memref_slice %arg7[%dma_wait3A_562, %dma_wait3A_563, %dma_wait3A_564] : memref<5x80x128xf32, #tpu.memory_space<vmem>> -> memref<1x80x128xf32, #tpu.memory_space<vmem>>
      %dma_wait3A_566 = tpu.memref_squeeze %dma_wait3A_565 : memref<1x80x128xf32, #tpu.memory_space<vmem>> -> memref<80x128xf32, #tpu.memory_space<vmem>>
      %dma_wait3A_567 = arith.constant 0 : i32
      %dma_wait3A_568 = tpu.memref_slice %arg4[%mul3A_2, %dma_wait3A_567] : memref<320000x128xf32, #tpu.memory_space<hbm>> -> memref<80x128xf32, #tpu.memory_space<hbm>>
      %dma_wait3A_569 = arith.constant 0 : i32
      %dma_wait3A_570 = tpu.memref_slice %arg4[%mul3A_2, %dma_wait3A_569] : memref<320000x128xf32, #tpu.memory_space<hbm>> -> memref<80x128xf32, #tpu.memory_space<hbm>>
      %dma_wait3A_571 = arith.constant 0 : i32
      %dma_wait3A_572 = arith.constant 0 : i32
      %dma_wait3A_573 = tpu.memref_slice %arg7[%dma_wait3A_562, %dma_wait3A_571, %dma_wait3A_572] : memref<5x80x128xf32, #tpu.memory_space<vmem>> -> memref<1x80x128xf32, #tpu.memory_space<vmem>>
      %dma_wait3A_574 = tpu.memref_squeeze %dma_wait3A_573 : memref<1x80x128xf32, #tpu.memory_space<vmem>> -> memref<80x128xf32, #tpu.memory_space<vmem>>
      tpu.wait_dma2 semaphore(%arg16 : memref<!tpu.dma_semaphore, #tpu.memory_space<semaphore_mem>>) src(%dma_wait3A_574 : memref<80x128xf32, #tpu.memory_space<vmem>>) dst(%dma_wait3A_570 : memref<80x128xf32, #tpu.memory_space<hbm>>)
      %dma_start3A_575 = arith.constant 3 : i32
      %dma_start3A_576 = arith.constant 0 : i32
      %dma_start3A_577 = arith.constant 0 : i32
      %dma_start3A_578 = tpu.memref_slice %arg7[%dma_start3A_575, %dma_start3A_576, %dma_start3A_577] : memref<5x80x128xf32, #tpu.memory_space<vmem>> -> memref<1x80x128xf32, #tpu.memory_space<vmem>>
      %dma_start3A_579 = tpu.memref_squeeze %dma_start3A_578 : memref<1x80x128xf32, #tpu.memory_space<vmem>> -> memref<80x128xf32, #tpu.memory_space<vmem>>
      %dma_start3A_580 = arith.constant 0 : i32
      %dma_start3A_581 = tpu.memref_slice %arg5[%add3A_561, %dma_start3A_580] : memref<125x80xi32, #tpu.memory_space<vmem>> -> memref<1x80xi32, #tpu.memory_space<vmem>>
      %dma_start3A_582 = tpu.memref_squeeze %dma_start3A_581 : memref<1x80xi32, #tpu.memory_space<vmem>> -> memref<80xi32, #tpu.memory_space<vmem>>
      %dma_start3A_583 = arith.constant 0 : i32
      %dma_start3A_584 = arith.constant 0 : i32
      %dma_start3A_585 = tpu.memref_slice %arg6[%dma_start3A_583, %dma_start3A_584] : memref<4x128xf32, #tpu.memory_space<vmem_shared>> -> memref<4x128xf32, #tpu.memory_space<vmem_shared>>
      tpu.enqueue_indirect_dma source(%dma_start3A_585 : memref<4x128xf32, #tpu.memory_space<vmem_shared>>) target(%dma_start3A_579 : memref<80x128xf32, #tpu.memory_space<vmem>>) offsets(%dma_start3A_582 : memref<80xi32, #tpu.memory_space<vmem>>) semaphore(%arg11 : memref<!tpu.dma_semaphore, #tpu.memory_space<semaphore_mem>>)
      %add3A_586 = arith.constant 1 : i32
      %add3A_587 = arith.addi %mul3A_530, %add3A_586 : i32
      %dma_wait3A_588 = arith.constant 1 : i32
      %dma_wait3A_589 = arith.constant 0 : i32
      %dma_wait3A_590 = arith.constant 0 : i32
      %dma_wait3A_591 = tpu.memref_slice %arg7[%dma_wait3A_588, %dma_wait3A_589, %dma_wait3A_590] : memref<5x80x128xf32, #tpu.memory_space<vmem>> -> memref<1x80x128xf32, #tpu.memory_space<vmem>>
      %dma_wait3A_592 = tpu.memref_squeeze %dma_wait3A_591 : memref<1x80x128xf32, #tpu.memory_space<vmem>> -> memref<80x128xf32, #tpu.memory_space<vmem>>
      %dma_wait3A_593 = arith.constant 0 : i32
      %dma_wait3A_594 = tpu.memref_slice %arg5[%add3A_587, %dma_wait3A_593] : memref<125x80xi32, #tpu.memory_space<vmem>> -> memref<1x80xi32, #tpu.memory_space<vmem>>
      %dma_wait3A_595 = tpu.memref_squeeze %dma_wait3A_594 : memref<1x80xi32, #tpu.memory_space<vmem>> -> memref<80xi32, #tpu.memory_space<vmem>>
      %dma_wait3A_596 = arith.constant 0 : i32
      %dma_wait3A_597 = arith.constant 0 : i32
      %dma_wait3A_598 = tpu.memref_slice %arg6[%dma_wait3A_596, %dma_wait3A_597] : memref<4x128xf32, #tpu.memory_space<vmem_shared>> -> memref<4x128xf32, #tpu.memory_space<vmem_shared>>
      tpu.wait_indirect_dma semaphore(%arg9 : memref<!tpu.dma_semaphore, #tpu.memory_space<semaphore_mem>>) src(%dma_wait3A_598 : memref<4x128xf32, #tpu.memory_space<vmem_shared>>) dst(%dma_wait3A_592 : memref<80x128xf32, #tpu.memory_space<vmem>>)
      %mul3A_599 = arith.constant 80 : i32
      %mul3A_600 = arith.muli %add3A_587, %mul3A_599 : i32
      %add3A_601 = arith.addi %mul3A_2, %mul3A_600 : i32
      %dma_start3A_602 = arith.constant 1 : i32
      %dma_start3A_603 = arith.constant 0 : i32
      %dma_start3A_604 = arith.constant 0 : i32
      %dma_start3A_605 = tpu.memref_slice %arg7[%dma_start3A_602, %dma_start3A_603, %dma_start3A_604] : memref<5x80x128xf32, #tpu.memory_space<vmem>> -> memref<1x80x128xf32, #tpu.memory_space<vmem>>
      %dma_start3A_606 = tpu.memref_squeeze %dma_start3A_605 : memref<1x80x128xf32, #tpu.memory_space<vmem>> -> memref<80x128xf32, #tpu.memory_space<vmem>>
      %dma_start3A_607 = arith.constant 0 : i32
      %dma_start3A_608 = tpu.memref_slice %arg4[%add3A_601, %dma_start3A_607] : memref<320000x128xf32, #tpu.memory_space<hbm>> -> memref<80x128xf32, #tpu.memory_space<hbm>>
      %dma_start3A_609 = arith.constant 0 : i32
      %dma_start3A_610 = tpu.memref_slice %arg4[%add3A_601, %dma_start3A_609] : memref<320000x128xf32, #tpu.memory_space<hbm>> -> memref<80x128xf32, #tpu.memory_space<hbm>>
      %dma_start3A_611 = arith.constant 0 : i32
      %dma_start3A_612 = arith.constant 0 : i32
      %dma_start3A_613 = tpu.memref_slice %arg7[%dma_start3A_602, %dma_start3A_611, %dma_start3A_612] : memref<5x80x128xf32, #tpu.memory_space<vmem>> -> memref<1x80x128xf32, #tpu.memory_space<vmem>>
      %dma_start3A_614 = tpu.memref_squeeze %dma_start3A_613 : memref<1x80x128xf32, #tpu.memory_space<vmem>> -> memref<80x128xf32, #tpu.memory_space<vmem>>
      tpu.enqueue_dma source(%dma_start3A_614 : memref<80x128xf32, #tpu.memory_space<vmem>>) target(%dma_start3A_610 : memref<80x128xf32, #tpu.memory_space<hbm>>) target_semaphore(%arg14 : memref<!tpu.dma_semaphore, #tpu.memory_space<semaphore_mem>>)
      %add3A_615 = arith.constant 3 : i32
      %add3A_616 = arith.addi %add3A_587, %add3A_615 : i32
      %dma_wait3A_617 = arith.constant 4 : i32
      %dma_wait3A_618 = arith.constant 0 : i32
      %dma_wait3A_619 = arith.constant 0 : i32
      %dma_wait3A_620 = tpu.memref_slice %arg7[%dma_wait3A_617, %dma_wait3A_618, %dma_wait3A_619] : memref<5x80x128xf32, #tpu.memory_space<vmem>> -> memref<1x80x128xf32, #tpu.memory_space<vmem>>
      %dma_wait3A_621 = tpu.memref_squeeze %dma_wait3A_620 : memref<1x80x128xf32, #tpu.memory_space<vmem>> -> memref<80x128xf32, #tpu.memory_space<vmem>>
      %dma_wait3A_622 = arith.constant 0 : i32
      %dma_wait3A_623 = tpu.memref_slice %arg4[%mul3A_2, %dma_wait3A_622] : memref<320000x128xf32, #tpu.memory_space<hbm>> -> memref<80x128xf32, #tpu.memory_space<hbm>>
      %dma_wait3A_624 = arith.constant 0 : i32
      %dma_wait3A_625 = tpu.memref_slice %arg4[%mul3A_2, %dma_wait3A_624] : memref<320000x128xf32, #tpu.memory_space<hbm>> -> memref<80x128xf32, #tpu.memory_space<hbm>>
      %dma_wait3A_626 = arith.constant 0 : i32
      %dma_wait3A_627 = arith.constant 0 : i32
      %dma_wait3A_628 = tpu.memref_slice %arg7[%dma_wait3A_617, %dma_wait3A_626, %dma_wait3A_627] : memref<5x80x128xf32, #tpu.memory_space<vmem>> -> memref<1x80x128xf32, #tpu.memory_space<vmem>>
      %dma_wait3A_629 = tpu.memref_squeeze %dma_wait3A_628 : memref<1x80x128xf32, #tpu.memory_space<vmem>> -> memref<80x128xf32, #tpu.memory_space<vmem>>
      tpu.wait_dma2 semaphore(%arg17 : memref<!tpu.dma_semaphore, #tpu.memory_space<semaphore_mem>>) src(%dma_wait3A_629 : memref<80x128xf32, #tpu.memory_space<vmem>>) dst(%dma_wait3A_625 : memref<80x128xf32, #tpu.memory_space<hbm>>)
      %dma_start3A_630 = arith.constant 4 : i32
      %dma_start3A_631 = arith.constant 0 : i32
      %dma_start3A_632 = arith.constant 0 : i32
      %dma_start3A_633 = tpu.memref_slice %arg7[%dma_start3A_630, %dma_start3A_631, %dma_start3A_632] : memref<5x80x128xf32, #tpu.memory_space<vmem>> -> memref<1x80x128xf32, #tpu.memory_space<vmem>>
      %dma_start3A_634 = tpu.memref_squeeze %dma_start3A_633 : memref<1x80x128xf32, #tpu.memory_space<vmem>> -> memref<80x128xf32, #tpu.memory_space<vmem>>
      %dma_start3A_635 = arith.constant 0 : i32
      %dma_start3A_636 = tpu.memref_slice %arg5[%add3A_616, %dma_start3A_635] : memref<125x80xi32, #tpu.memory_space<vmem>> -> memref<1x80xi32, #tpu.memory_space<vmem>>
      %dma_start3A_637 = tpu.memref_squeeze %dma_start3A_636 : memref<1x80xi32, #tpu.memory_space<vmem>> -> memref<80xi32, #tpu.memory_space<vmem>>
      %dma_start3A_638 = arith.constant 0 : i32
      %dma_start3A_639 = arith.constant 0 : i32
      %dma_start3A_640 = tpu.memref_slice %arg6[%dma_start3A_638, %dma_start3A_639] : memref<4x128xf32, #tpu.memory_space<vmem_shared>> -> memref<4x128xf32, #tpu.memory_space<vmem_shared>>
      tpu.enqueue_indirect_dma source(%dma_start3A_640 : memref<4x128xf32, #tpu.memory_space<vmem_shared>>) target(%dma_start3A_634 : memref<80x128xf32, #tpu.memory_space<vmem>>) offsets(%dma_start3A_637 : memref<80xi32, #tpu.memory_space<vmem>>) semaphore(%arg12 : memref<!tpu.dma_semaphore, #tpu.memory_space<semaphore_mem>>)
      %add3A_641 = arith.constant 2 : i32
      %add3A_642 = arith.addi %mul3A_530, %add3A_641 : i32
      %dma_wait3A_643 = arith.constant 2 : i32
      %dma_wait3A_644 = arith.constant 0 : i32
      %dma_wait3A_645 = arith.constant 0 : i32
      %dma_wait3A_646 = tpu.memref_slice %arg7[%dma_wait3A_643, %dma_wait3A_644, %dma_wait3A_645] : memref<5x80x128xf32, #tpu.memory_space<vmem>> -> memref<1x80x128xf32, #tpu.memory_space<vmem>>
      %dma_wait3A_647 = tpu.memref_squeeze %dma_wait3A_646 : memref<1x80x128xf32, #tpu.memory_space<vmem>> -> memref<80x128xf32, #tpu.memory_space<vmem>>
      %dma_wait3A_648 = arith.constant 0 : i32
      %dma_wait3A_649 = tpu.memref_slice %arg5[%add3A_642, %dma_wait3A_648] : memref<125x80xi32, #tpu.memory_space<vmem>> -> memref<1x80xi32, #tpu.memory_space<vmem>>
      %dma_wait3A_650 = tpu.memref_squeeze %dma_wait3A_649 : memref<1x80xi32, #tpu.memory_space<vmem>> -> memref<80xi32, #tpu.memory_space<vmem>>
      %dma_wait3A_651 = arith.constant 0 : i32
      %dma_wait3A_652 = arith.constant 0 : i32
      %dma_wait3A_653 = tpu.memref_slice %arg6[%dma_wait3A_651, %dma_wait3A_652] : memref<4x128xf32, #tpu.memory_space<vmem_shared>> -> memref<4x128xf32, #tpu.memory_space<vmem_shared>>
      tpu.wait_indirect_dma semaphore(%arg10 : memref<!tpu.dma_semaphore, #tpu.memory_space<semaphore_mem>>) src(%dma_wait3A_653 : memref<4x128xf32, #tpu.memory_space<vmem_shared>>) dst(%dma_wait3A_647 : memref<80x128xf32, #tpu.memory_space<vmem>>)
      %mul3A_654 = arith.constant 80 : i32
      %mul3A_655 = arith.muli %add3A_642, %mul3A_654 : i32
      %add3A_656 = arith.addi %mul3A_2, %mul3A_655 : i32
      %dma_start3A_657 = arith.constant 2 : i32
      %dma_start3A_658 = arith.constant 0 : i32
      %dma_start3A_659 = arith.constant 0 : i32
      %dma_start3A_660 = tpu.memref_slice %arg7[%dma_start3A_657, %dma_start3A_658, %dma_start3A_659] : memref<5x80x128xf32, #tpu.memory_space<vmem>> -> memref<1x80x128xf32, #tpu.memory_space<vmem>>
      %dma_start3A_661 = tpu.memref_squeeze %dma_start3A_660 : memref<1x80x128xf32, #tpu.memory_space<vmem>> -> memref<80x128xf32, #tpu.memory_space<vmem>>
      %dma_start3A_662 = arith.constant 0 : i32
      %dma_start3A_663 = tpu.memref_slice %arg4[%add3A_656, %dma_start3A_662] : memref<320000x128xf32, #tpu.memory_space<hbm>> -> memref<80x128xf32, #tpu.memory_space<hbm>>
      %dma_start3A_664 = arith.constant 0 : i32
      %dma_start3A_665 = tpu.memref_slice %arg4[%add3A_656, %dma_start3A_664] : memref<320000x128xf32, #tpu.memory_space<hbm>> -> memref<80x128xf32, #tpu.memory_space<hbm>>
      %dma_start3A_666 = arith.constant 0 : i32
      %dma_start3A_667 = arith.constant 0 : i32
      %dma_start3A_668 = tpu.memref_slice %arg7[%dma_start3A_657, %dma_start3A_666, %dma_start3A_667] : memref<5x80x128xf32, #tpu.memory_space<vmem>> -> memref<1x80x128xf32, #tpu.memory_space<vmem>>
      %dma_start3A_669 = tpu.memref_squeeze %dma_start3A_668 : memref<1x80x128xf32, #tpu.memory_space<vmem>> -> memref<80x128xf32, #tpu.memory_space<vmem>>
      tpu.enqueue_dma source(%dma_start3A_669 : memref<80x128xf32, #tpu.memory_space<vmem>>) target(%dma_start3A_665 : memref<80x128xf32, #tpu.memory_space<hbm>>) target_semaphore(%arg15 : memref<!tpu.dma_semaphore, #tpu.memory_space<semaphore_mem>>)
      %add3A_670 = arith.constant 3 : i32
      %add3A_671 = arith.addi %add3A_642, %add3A_670 : i32
      %dma_wait3A_672 = arith.constant 0 : i32
      %dma_wait3A_673 = arith.constant 0 : i32
      %dma_wait3A_674 = arith.constant 0 : i32
      %dma_wait3A_675 = tpu.memref_slice %arg7[%dma_wait3A_672, %dma_wait3A_673, %dma_wait3A_674] : memref<5x80x128xf32, #tpu.memory_space<vmem>> -> memref<1x80x128xf32, #tpu.memory_space<vmem>>
      %dma_wait3A_676 = tpu.memref_squeeze %dma_wait3A_675 : memref<1x80x128xf32, #tpu.memory_space<vmem>> -> memref<80x128xf32, #tpu.memory_space<vmem>>
      %dma_wait3A_677 = arith.constant 0 : i32
      %dma_wait3A_678 = tpu.memref_slice %arg4[%mul3A_2, %dma_wait3A_677] : memref<320000x128xf32, #tpu.memory_space<hbm>> -> memref<80x128xf32, #tpu.memory_space<hbm>>
      %dma_wait3A_679 = arith.constant 0 : i32
      %dma_wait3A_680 = tpu.memref_slice %arg4[%mul3A_2, %dma_wait3A_679] : memref<320000x128xf32, #tpu.memory_space<hbm>> -> memref<80x128xf32, #tpu.memory_space<hbm>>
      %dma_wait3A_681 = arith.constant 0 : i32
      %dma_wait3A_682 = arith.constant 0 : i32
      %dma_wait3A_683 = tpu.memref_slice %arg7[%dma_wait3A_672, %dma_wait3A_681, %dma_wait3A_682] : memref<5x80x128xf32, #tpu.memory_space<vmem>> -> memref<1x80x128xf32, #tpu.memory_space<vmem>>
      %dma_wait3A_684 = tpu.memref_squeeze %dma_wait3A_683 : memref<1x80x128xf32, #tpu.memory_space<vmem>> -> memref<80x128xf32, #tpu.memory_space<vmem>>
      tpu.wait_dma2 semaphore(%arg13 : memref<!tpu.dma_semaphore, #tpu.memory_space<semaphore_mem>>) src(%dma_wait3A_684 : memref<80x128xf32, #tpu.memory_space<vmem>>) dst(%dma_wait3A_680 : memref<80x128xf32, #tpu.memory_space<hbm>>)
      %dma_start3A_685 = arith.constant 0 : i32
      %dma_start3A_686 = arith.constant 0 : i32
      %dma_start3A_687 = arith.constant 0 : i32
      %dma_start3A_688 = tpu.memref_slice %arg7[%dma_start3A_685, %dma_start3A_686, %dma_start3A_687] : memref<5x80x128xf32, #tpu.memory_space<vmem>> -> memref<1x80x128xf32, #tpu.memory_space<vmem>>
      %dma_start3A_689 = tpu.memref_squeeze %dma_start3A_688 : memref<1x80x128xf32, #tpu.memory_space<vmem>> -> memref<80x128xf32, #tpu.memory_space<vmem>>
      %dma_start3A_690 = arith.constant 0 : i32
      %dma_start3A_691 = tpu.memref_slice %arg5[%add3A_671, %dma_start3A_690] : memref<125x80xi32, #tpu.memory_space<vmem>> -> memref<1x80xi32, #tpu.memory_space<vmem>>
      %dma_start3A_692 = tpu.memref_squeeze %dma_start3A_691 : memref<1x80xi32, #tpu.memory_space<vmem>> -> memref<80xi32, #tpu.memory_space<vmem>>
      %dma_start3A_693 = arith.constant 0 : i32
      %dma_start3A_694 = arith.constant 0 : i32
      %dma_start3A_695 = tpu.memref_slice %arg6[%dma_start3A_693, %dma_start3A_694] : memref<4x128xf32, #tpu.memory_space<vmem_shared>> -> memref<4x128xf32, #tpu.memory_space<vmem_shared>>
      tpu.enqueue_indirect_dma source(%dma_start3A_695 : memref<4x128xf32, #tpu.memory_space<vmem_shared>>) target(%dma_start3A_689 : memref<80x128xf32, #tpu.memory_space<vmem>>) offsets(%dma_start3A_692 : memref<80xi32, #tpu.memory_space<vmem>>) semaphore(%arg8 : memref<!tpu.dma_semaphore, #tpu.memory_space<semaphore_mem>>)
      %add3A_696 = arith.constant 3 : i32
      %add3A_697 = arith.addi %mul3A_530, %add3A_696 : i32
      %dma_wait3A_698 = arith.constant 3 : i32
      %dma_wait3A_699 = arith.constant 0 : i32
      %dma_wait3A_700 = arith.constant 0 : i32
      %dma_wait3A_701 = tpu.memref_slice %arg7[%dma_wait3A_698, %dma_wait3A_699, %dma_wait3A_700] : memref<5x80x128xf32, #tpu.memory_space<vmem>> -> memref<1x80x128xf32, #tpu.memory_space<vmem>>
      %dma_wait3A_702 = tpu.memref_squeeze %dma_wait3A_701 : memref<1x80x128xf32, #tpu.memory_space<vmem>> -> memref<80x128xf32, #tpu.memory_space<vmem>>
      %dma_wait3A_703 = arith.constant 0 : i32
      %dma_wait3A_704 = tpu.memref_slice %arg5[%add3A_697, %dma_wait3A_703] : memref<125x80xi32, #tpu.memory_space<vmem>> -> memref<1x80xi32, #tpu.memory_space<vmem>>
      %dma_wait3A_705 = tpu.memref_squeeze %dma_wait3A_704 : memref<1x80xi32, #tpu.memory_space<vmem>> -> memref<80xi32, #tpu.memory_space<vmem>>
      %dma_wait3A_706 = arith.constant 0 : i32
      %dma_wait3A_707 = arith.constant 0 : i32
      %dma_wait3A_708 = tpu.memref_slice %arg6[%dma_wait3A_706, %dma_wait3A_707] : memref<4x128xf32, #tpu.memory_space<vmem_shared>> -> memref<4x128xf32, #tpu.memory_space<vmem_shared>>
      tpu.wait_indirect_dma semaphore(%arg11 : memref<!tpu.dma_semaphore, #tpu.memory_space<semaphore_mem>>) src(%dma_wait3A_708 : memref<4x128xf32, #tpu.memory_space<vmem_shared>>) dst(%dma_wait3A_702 : memref<80x128xf32, #tpu.memory_space<vmem>>)
      %mul3A_709 = arith.constant 80 : i32
      %mul3A_710 = arith.muli %add3A_697, %mul3A_709 : i32
      %add3A_711 = arith.addi %mul3A_2, %mul3A_710 : i32
      %dma_start3A_712 = arith.constant 3 : i32
      %dma_start3A_713 = arith.constant 0 : i32
      %dma_start3A_714 = arith.constant 0 : i32
      %dma_start3A_715 = tpu.memref_slice %arg7[%dma_start3A_712, %dma_start3A_713, %dma_start3A_714] : memref<5x80x128xf32, #tpu.memory_space<vmem>> -> memref<1x80x128xf32, #tpu.memory_space<vmem>>
      %dma_start3A_716 = tpu.memref_squeeze %dma_start3A_715 : memref<1x80x128xf32, #tpu.memory_space<vmem>> -> memref<80x128xf32, #tpu.memory_space<vmem>>
      %dma_start3A_717 = arith.constant 0 : i32
      %dma_start3A_718 = tpu.memref_slice %arg4[%add3A_711, %dma_start3A_717] : memref<320000x128xf32, #tpu.memory_space<hbm>> -> memref<80x128xf32, #tpu.memory_space<hbm>>
      %dma_start3A_719 = arith.constant 0 : i32
      %dma_start3A_720 = tpu.memref_slice %arg4[%add3A_711, %dma_start3A_719] : memref<320000x128xf32, #tpu.memory_space<hbm>> -> memref<80x128xf32, #tpu.memory_space<hbm>>
      %dma_start3A_721 = arith.constant 0 : i32
      %dma_start3A_722 = arith.constant 0 : i32
      %dma_start3A_723 = tpu.memref_slice %arg7[%dma_start3A_712, %dma_start3A_721, %dma_start3A_722] : memref<5x80x128xf32, #tpu.memory_space<vmem>> -> memref<1x80x128xf32, #tpu.memory_space<vmem>>
      %dma_start3A_724 = tpu.memref_squeeze %dma_start3A_723 : memref<1x80x128xf32, #tpu.memory_space<vmem>> -> memref<80x128xf32, #tpu.memory_space<vmem>>
      tpu.enqueue_dma source(%dma_start3A_724 : memref<80x128xf32, #tpu.memory_space<vmem>>) target(%dma_start3A_720 : memref<80x128xf32, #tpu.memory_space<hbm>>) target_semaphore(%arg16 : memref<!tpu.dma_semaphore, #tpu.memory_space<semaphore_mem>>)
      %add3A_725 = arith.constant 3 : i32
      %add3A_726 = arith.addi %add3A_697, %add3A_725 : i32
      %dma_wait3A_727 = arith.constant 1 : i32
      %dma_wait3A_728 = arith.constant 0 : i32
      %dma_wait3A_729 = arith.constant 0 : i32
      %dma_wait3A_730 = tpu.memref_slice %arg7[%dma_wait3A_727, %dma_wait3A_728, %dma_wait3A_729] : memref<5x80x128xf32, #tpu.memory_space<vmem>> -> memref<1x80x128xf32, #tpu.memory_space<vmem>>
      %dma_wait3A_731 = tpu.memref_squeeze %dma_wait3A_730 : memref<1x80x128xf32, #tpu.memory_space<vmem>> -> memref<80x128xf32, #tpu.memory_space<vmem>>
      %dma_wait3A_732 = arith.constant 0 : i32
      %dma_wait3A_733 = tpu.memref_slice %arg4[%mul3A_2, %dma_wait3A_732] : memref<320000x128xf32, #tpu.memory_space<hbm>> -> memref<80x128xf32, #tpu.memory_space<hbm>>
      %dma_wait3A_734 = arith.constant 0 : i32
      %dma_wait3A_735 = tpu.memref_slice %arg4[%mul3A_2, %dma_wait3A_734] : memref<320000x128xf32, #tpu.memory_space<hbm>> -> memref<80x128xf32, #tpu.memory_space<hbm>>
      %dma_wait3A_736 = arith.constant 0 : i32
      %dma_wait3A_737 = arith.constant 0 : i32
      %dma_wait3A_738 = tpu.memref_slice %arg7[%dma_wait3A_727, %dma_wait3A_736, %dma_wait3A_737] : memref<5x80x128xf32, #tpu.memory_space<vmem>> -> memref<1x80x128xf32, #tpu.memory_space<vmem>>
      %dma_wait3A_739 = tpu.memref_squeeze %dma_wait3A_738 : memref<1x80x128xf32, #tpu.memory_space<vmem>> -> memref<80x128xf32, #tpu.memory_space<vmem>>
      tpu.wait_dma2 semaphore(%arg14 : memref<!tpu.dma_semaphore, #tpu.memory_space<semaphore_mem>>) src(%dma_wait3A_739 : memref<80x128xf32, #tpu.memory_space<vmem>>) dst(%dma_wait3A_735 : memref<80x128xf32, #tpu.memory_space<hbm>>)
      %dma_start3A_740 = arith.constant 1 : i32
      %dma_start3A_741 = arith.constant 0 : i32
      %dma_start3A_742 = arith.constant 0 : i32
      %dma_start3A_743 = tpu.memref_slice %arg7[%dma_start3A_740, %dma_start3A_741, %dma_start3A_742] : memref<5x80x128xf32, #tpu.memory_space<vmem>> -> memref<1x80x128xf32, #tpu.memory_space<vmem>>
      %dma_start3A_744 = tpu.memref_squeeze %dma_start3A_743 : memref<1x80x128xf32, #tpu.memory_space<vmem>> -> memref<80x128xf32, #tpu.memory_space<vmem>>
      %dma_start3A_745 = arith.constant 0 : i32
      %dma_start3A_746 = tpu.memref_slice %arg5[%add3A_726, %dma_start3A_745] : memref<125x80xi32, #tpu.memory_space<vmem>> -> memref<1x80xi32, #tpu.memory_space<vmem>>
      %dma_start3A_747 = tpu.memref_squeeze %dma_start3A_746 : memref<1x80xi32, #tpu.memory_space<vmem>> -> memref<80xi32, #tpu.memory_space<vmem>>
      %dma_start3A_748 = arith.constant 0 : i32
      %dma_start3A_749 = arith.constant 0 : i32
      %dma_start3A_750 = tpu.memref_slice %arg6[%dma_start3A_748, %dma_start3A_749] : memref<4x128xf32, #tpu.memory_space<vmem_shared>> -> memref<4x128xf32, #tpu.memory_space<vmem_shared>>
      tpu.enqueue_indirect_dma source(%dma_start3A_750 : memref<4x128xf32, #tpu.memory_space<vmem_shared>>) target(%dma_start3A_744 : memref<80x128xf32, #tpu.memory_space<vmem>>) offsets(%dma_start3A_747 : memref<80xi32, #tpu.memory_space<vmem>>) semaphore(%arg9 : memref<!tpu.dma_semaphore, #tpu.memory_space<semaphore_mem>>)
      %add3A_751 = arith.constant 4 : i32
      %add3A_752 = arith.addi %mul3A_530, %add3A_751 : i32
      %dma_wait3A_753 = arith.constant 4 : i32
      %dma_wait3A_754 = arith.constant 0 : i32
      %dma_wait3A_755 = arith.constant 0 : i32
      %dma_wait3A_756 = tpu.memref_slice %arg7[%dma_wait3A_753, %dma_wait3A_754, %dma_wait3A_755] : memref<5x80x128xf32, #tpu.memory_space<vmem>> -> memref<1x80x128xf32, #tpu.memory_space<vmem>>
      %dma_wait3A_757 = tpu.memref_squeeze %dma_wait3A_756 : memref<1x80x128xf32, #tpu.memory_space<vmem>> -> memref<80x128xf32, #tpu.memory_space<vmem>>
      %dma_wait3A_758 = arith.constant 0 : i32
      %dma_wait3A_759 = tpu.memref_slice %arg5[%add3A_752, %dma_wait3A_758] : memref<125x80xi32, #tpu.memory_space<vmem>> -> memref<1x80xi32, #tpu.memory_space<vmem>>
      %dma_wait3A_760 = tpu.memref_squeeze %dma_wait3A_759 : memref<1x80xi32, #tpu.memory_space<vmem>> -> memref<80xi32, #tpu.memory_space<vmem>>
      %dma_wait3A_761 = arith.constant 0 : i32
      %dma_wait3A_762 = arith.constant 0 : i32
      %dma_wait3A_763 = tpu.memref_slice %arg6[%dma_wait3A_761, %dma_wait3A_762] : memref<4x128xf32, #tpu.memory_space<vmem_shared>> -> memref<4x128xf32, #tpu.memory_space<vmem_shared>>
      tpu.wait_indirect_dma semaphore(%arg12 : memref<!tpu.dma_semaphore, #tpu.memory_space<semaphore_mem>>) src(%dma_wait3A_763 : memref<4x128xf32, #tpu.memory_space<vmem_shared>>) dst(%dma_wait3A_757 : memref<80x128xf32, #tpu.memory_space<vmem>>)
      %mul3A_764 = arith.constant 80 : i32
      %mul3A_765 = arith.muli %add3A_752, %mul3A_764 : i32
      %add3A_766 = arith.addi %mul3A_2, %mul3A_765 : i32
      %dma_start3A_767 = arith.constant 4 : i32
      %dma_start3A_768 = arith.constant 0 : i32
      %dma_start3A_769 = arith.constant 0 : i32
      %dma_start3A_770 = tpu.memref_slice %arg7[%dma_start3A_767, %dma_start3A_768, %dma_start3A_769] : memref<5x80x128xf32, #tpu.memory_space<vmem>> -> memref<1x80x128xf32, #tpu.memory_space<vmem>>
      %dma_start3A_771 = tpu.memref_squeeze %dma_start3A_770 : memref<1x80x128xf32, #tpu.memory_space<vmem>> -> memref<80x128xf32, #tpu.memory_space<vmem>>
      %dma_start3A_772 = arith.constant 0 : i32
      %dma_start3A_773 = tpu.memref_slice %arg4[%add3A_766, %dma_start3A_772] : memref<320000x128xf32, #tpu.memory_space<hbm>> -> memref<80x128xf32, #tpu.memory_space<hbm>>
      %dma_start3A_774 = arith.constant 0 : i32
      %dma_start3A_775 = tpu.memref_slice %arg4[%add3A_766, %dma_start3A_774] : memref<320000x128xf32, #tpu.memory_space<hbm>> -> memref<80x128xf32, #tpu.memory_space<hbm>>
      %dma_start3A_776 = arith.constant 0 : i32
      %dma_start3A_777 = arith.constant 0 : i32
      %dma_start3A_778 = tpu.memref_slice %arg7[%dma_start3A_767, %dma_start3A_776, %dma_start3A_777] : memref<5x80x128xf32, #tpu.memory_space<vmem>> -> memref<1x80x128xf32, #tpu.memory_space<vmem>>
      %dma_start3A_779 = tpu.memref_squeeze %dma_start3A_778 : memref<1x80x128xf32, #tpu.memory_space<vmem>> -> memref<80x128xf32, #tpu.memory_space<vmem>>
      tpu.enqueue_dma source(%dma_start3A_779 : memref<80x128xf32, #tpu.memory_space<vmem>>) target(%dma_start3A_775 : memref<80x128xf32, #tpu.memory_space<hbm>>) target_semaphore(%arg17 : memref<!tpu.dma_semaphore, #tpu.memory_space<semaphore_mem>>)
      %add3A_780 = arith.constant 3 : i32
      %add3A_781 = arith.addi %add3A_752, %add3A_780 : i32
      %dma_wait3A_782 = arith.constant 2 : i32
      %dma_wait3A_783 = arith.constant 0 : i32
      %dma_wait3A_784 = arith.constant 0 : i32
      %dma_wait3A_785 = tpu.memref_slice %arg7[%dma_wait3A_782, %dma_wait3A_783, %dma_wait3A_784] : memref<5x80x128xf32, #tpu.memory_space<vmem>> -> memref<1x80x128xf32, #tpu.memory_space<vmem>>
      %dma_wait3A_786 = tpu.memref_squeeze %dma_wait3A_785 : memref<1x80x128xf32, #tpu.memory_space<vmem>> -> memref<80x128xf32, #tpu.memory_space<vmem>>
      %dma_wait3A_787 = arith.constant 0 : i32
      %dma_wait3A_788 = tpu.memref_slice %arg4[%mul3A_2, %dma_wait3A_787] : memref<320000x128xf32, #tpu.memory_space<hbm>> -> memref<80x128xf32, #tpu.memory_space<hbm>>
      %dma_wait3A_789 = arith.constant 0 : i32
      %dma_wait3A_790 = tpu.memref_slice %arg4[%mul3A_2, %dma_wait3A_789] : memref<320000x128xf32, #tpu.memory_space<hbm>> -> memref<80x128xf32, #tpu.memory_space<hbm>>
      %dma_wait3A_791 = arith.constant 0 : i32
      %dma_wait3A_792 = arith.constant 0 : i32
      %dma_wait3A_793 = tpu.memref_slice %arg7[%dma_wait3A_782, %dma_wait3A_791, %dma_wait3A_792] : memref<5x80x128xf32, #tpu.memory_space<vmem>> -> memref<1x80x128xf32, #tpu.memory_space<vmem>>
      %dma_wait3A_794 = tpu.memref_squeeze %dma_wait3A_793 : memref<1x80x128xf32, #tpu.memory_space<vmem>> -> memref<80x128xf32, #tpu.memory_space<vmem>>
      tpu.wait_dma2 semaphore(%arg15 : memref<!tpu.dma_semaphore, #tpu.memory_space<semaphore_mem>>) src(%dma_wait3A_794 : memref<80x128xf32, #tpu.memory_space<vmem>>) dst(%dma_wait3A_790 : memref<80x128xf32, #tpu.memory_space<hbm>>)
      %dma_start3A_795 = arith.constant 2 : i32
      %dma_start3A_796 = arith.constant 0 : i32
      %dma_start3A_797 = arith.constant 0 : i32
      %dma_start3A_798 = tpu.memref_slice %arg7[%dma_start3A_795, %dma_start3A_796, %dma_start3A_797] : memref<5x80x128xf32, #tpu.memory_space<vmem>> -> memref<1x80x128xf32, #tpu.memory_space<vmem>>
      %dma_start3A_799 = tpu.memref_squeeze %dma_start3A_798 : memref<1x80x128xf32, #tpu.memory_space<vmem>> -> memref<80x128xf32, #tpu.memory_space<vmem>>
      %dma_start3A_800 = arith.constant 0 : i32
      %dma_start3A_801 = tpu.memref_slice %arg5[%add3A_781, %dma_start3A_800] : memref<125x80xi32, #tpu.memory_space<vmem>> -> memref<1x80xi32, #tpu.memory_space<vmem>>
      %dma_start3A_802 = tpu.memref_squeeze %dma_start3A_801 : memref<1x80xi32, #tpu.memory_space<vmem>> -> memref<80xi32, #tpu.memory_space<vmem>>
      %dma_start3A_803 = arith.constant 0 : i32
      %dma_start3A_804 = arith.constant 0 : i32
      %dma_start3A_805 = tpu.memref_slice %arg6[%dma_start3A_803, %dma_start3A_804] : memref<4x128xf32, #tpu.memory_space<vmem_shared>> -> memref<4x128xf32, #tpu.memory_space<vmem_shared>>
      tpu.enqueue_indirect_dma source(%dma_start3A_805 : memref<4x128xf32, #tpu.memory_space<vmem_shared>>) target(%dma_start3A_799 : memref<80x128xf32, #tpu.memory_space<vmem>>) offsets(%dma_start3A_802 : memref<80xi32, #tpu.memory_space<vmem>>) semaphore(%arg10 : memref<!tpu.dma_semaphore, #tpu.memory_space<semaphore_mem>>)
    }
    %scan3A_277 = arith.constant 23 : i32
    %dma_wait3A_278 = arith.constant 120 : i32
    %dma_wait3A_279 = arith.constant 0 : i32
    %dma_wait3A_280 = arith.constant 0 : i32
    %dma_wait3A_281 = arith.constant 0 : i32
    %dma_wait3A_282 = tpu.memref_slice %arg7[%dma_wait3A_279, %dma_wait3A_280, %dma_wait3A_281] : memref<5x80x128xf32, #tpu.memory_space<vmem>> -> memref<1x80x128xf32, #tpu.memory_space<vmem>>
    %dma_wait3A_283 = tpu.memref_squeeze %dma_wait3A_282 : memref<1x80x128xf32, #tpu.memory_space<vmem>> -> memref<80x128xf32, #tpu.memory_space<vmem>>
    %dma_wait3A_284 = arith.constant 0 : i32
    %dma_wait3A_285 = tpu.memref_slice %arg5[%dma_wait3A_278, %dma_wait3A_284] : memref<125x80xi32, #tpu.memory_space<vmem>> -> memref<1x80xi32, #tpu.memory_space<vmem>>
    %dma_wait3A_286 = tpu.memref_squeeze %dma_wait3A_285 : memref<1x80xi32, #tpu.memory_space<vmem>> -> memref<80xi32, #tpu.memory_space<vmem>>
    %dma_wait3A_287 = arith.constant 0 : i32
    %dma_wait3A_288 = arith.constant 0 : i32
    %dma_wait3A_289 = tpu.memref_slice %arg6[%dma_wait3A_287, %dma_wait3A_288] : memref<4x128xf32, #tpu.memory_space<vmem_shared>> -> memref<4x128xf32, #tpu.memory_space<vmem_shared>>
    tpu.wait_indirect_dma semaphore(%arg8 : memref<!tpu.dma_semaphore, #tpu.memory_space<semaphore_mem>>) src(%dma_wait3A_289 : memref<4x128xf32, #tpu.memory_space<vmem_shared>>) dst(%dma_wait3A_283 : memref<80x128xf32, #tpu.memory_space<vmem>>)
    %add3A_290 = arith.constant 9600 : i32
    %add3A_291 = arith.addi %mul3A_2, %add3A_290 : i32
    %dma_start3A_292 = arith.constant 0 : i32
    %dma_start3A_293 = arith.constant 0 : i32
    %dma_start3A_294 = arith.constant 0 : i32
    %dma_start3A_295 = tpu.memref_slice %arg7[%dma_start3A_292, %dma_start3A_293, %dma_start3A_294] : memref<5x80x128xf32, #tpu.memory_space<vmem>> -> memref<1x80x128xf32, #tpu.memory_space<vmem>>
    %dma_start3A_296 = tpu.memref_squeeze %dma_start3A_295 : memref<1x80x128xf32, #tpu.memory_space<vmem>> -> memref<80x128xf32, #tpu.memory_space<vmem>>
    %dma_start3A_297 = arith.constant 0 : i32
    %dma_start3A_298 = tpu.memref_slice %arg4[%add3A_291, %dma_start3A_297] : memref<320000x128xf32, #tpu.memory_space<hbm>> -> memref<80x128xf32, #tpu.memory_space<hbm>>
    %dma_start3A_299 = arith.constant 0 : i32
    %dma_start3A_300 = tpu.memref_slice %arg4[%add3A_291, %dma_start3A_299] : memref<320000x128xf32, #tpu.memory_space<hbm>> -> memref<80x128xf32, #tpu.memory_space<hbm>>
    %dma_start3A_301 = arith.constant 0 : i32
    %dma_start3A_302 = arith.constant 0 : i32
    %dma_start3A_303 = tpu.memref_slice %arg7[%dma_start3A_292, %dma_start3A_301, %dma_start3A_302] : memref<5x80x128xf32, #tpu.memory_space<vmem>> -> memref<1x80x128xf32, #tpu.memory_space<vmem>>
    %dma_start3A_304 = tpu.memref_squeeze %dma_start3A_303 : memref<1x80x128xf32, #tpu.memory_space<vmem>> -> memref<80x128xf32, #tpu.memory_space<vmem>>
    tpu.enqueue_dma source(%dma_start3A_304 : memref<80x128xf32, #tpu.memory_space<vmem>>) target(%dma_start3A_300 : memref<80x128xf32, #tpu.memory_space<hbm>>) target_semaphore(%arg13 : memref<!tpu.dma_semaphore, #tpu.memory_space<semaphore_mem>>)
    %dma_wait3A_305 = arith.constant 3 : i32
    %dma_wait3A_306 = arith.constant 0 : i32
    %dma_wait3A_307 = arith.constant 0 : i32
    %dma_wait3A_308 = tpu.memref_slice %arg7[%dma_wait3A_305, %dma_wait3A_306, %dma_wait3A_307] : memref<5x80x128xf32, #tpu.memory_space<vmem>> -> memref<1x80x128xf32, #tpu.memory_space<vmem>>
    %dma_wait3A_309 = tpu.memref_squeeze %dma_wait3A_308 : memref<1x80x128xf32, #tpu.memory_space<vmem>> -> memref<80x128xf32, #tpu.memory_space<vmem>>
    %dma_wait3A_310 = arith.constant 0 : i32
    %dma_wait3A_311 = tpu.memref_slice %arg4[%mul3A_2, %dma_wait3A_310] : memref<320000x128xf32, #tpu.memory_space<hbm>> -> memref<80x128xf32, #tpu.memory_space<hbm>>
    %dma_wait3A_312 = arith.constant 0 : i32
    %dma_wait3A_313 = tpu.memref_slice %arg4[%mul3A_2, %dma_wait3A_312] : memref<320000x128xf32, #tpu.memory_space<hbm>> -> memref<80x128xf32, #tpu.memory_space<hbm>>
    %dma_wait3A_314 = arith.constant 0 : i32
    %dma_wait3A_315 = arith.constant 0 : i32
    %dma_wait3A_316 = tpu.memref_slice %arg7[%dma_wait3A_305, %dma_wait3A_314, %dma_wait3A_315] : memref<5x80x128xf32, #tpu.memory_space<vmem>> -> memref<1x80x128xf32, #tpu.memory_space<vmem>>
    %dma_wait3A_317 = tpu.memref_squeeze %dma_wait3A_316 : memref<1x80x128xf32, #tpu.memory_space<vmem>> -> memref<80x128xf32, #tpu.memory_space<vmem>>
    tpu.wait_dma2 semaphore(%arg16 : memref<!tpu.dma_semaphore, #tpu.memory_space<semaphore_mem>>) src(%dma_wait3A_317 : memref<80x128xf32, #tpu.memory_space<vmem>>) dst(%dma_wait3A_313 : memref<80x128xf32, #tpu.memory_space<hbm>>)
    %dma_start3A_318 = arith.constant 123 : i32
    %dma_start3A_319 = arith.constant 3 : i32
    %dma_start3A_320 = arith.constant 0 : i32
    %dma_start3A_321 = arith.constant 0 : i32
    %dma_start3A_322 = tpu.memref_slice %arg7[%dma_start3A_319, %dma_start3A_320, %dma_start3A_321] : memref<5x80x128xf32, #tpu.memory_space<vmem>> -> memref<1x80x128xf32, #tpu.memory_space<vmem>>
    %dma_start3A_323 = tpu.memref_squeeze %dma_start3A_322 : memref<1x80x128xf32, #tpu.memory_space<vmem>> -> memref<80x128xf32, #tpu.memory_space<vmem>>
    %dma_start3A_324 = arith.constant 0 : i32
    %dma_start3A_325 = tpu.memref_slice %arg5[%dma_start3A_318, %dma_start3A_324] : memref<125x80xi32, #tpu.memory_space<vmem>> -> memref<1x80xi32, #tpu.memory_space<vmem>>
    %dma_start3A_326 = tpu.memref_squeeze %dma_start3A_325 : memref<1x80xi32, #tpu.memory_space<vmem>> -> memref<80xi32, #tpu.memory_space<vmem>>
    %dma_start3A_327 = arith.constant 0 : i32
    %dma_start3A_328 = arith.constant 0 : i32
    %dma_start3A_329 = tpu.memref_slice %arg6[%dma_start3A_327, %dma_start3A_328] : memref<4x128xf32, #tpu.memory_space<vmem_shared>> -> memref<4x128xf32, #tpu.memory_space<vmem_shared>>
    tpu.enqueue_indirect_dma source(%dma_start3A_329 : memref<4x128xf32, #tpu.memory_space<vmem_shared>>) target(%dma_start3A_323 : memref<80x128xf32, #tpu.memory_space<vmem>>) offsets(%dma_start3A_326 : memref<80xi32, #tpu.memory_space<vmem>>) semaphore(%arg11 : memref<!tpu.dma_semaphore, #tpu.memory_space<semaphore_mem>>)
    %dma_wait3A_330 = arith.constant 121 : i32
    %dma_wait3A_331 = arith.constant 1 : i32
    %dma_wait3A_332 = arith.constant 0 : i32
    %dma_wait3A_333 = arith.constant 0 : i32
    %dma_wait3A_334 = tpu.memref_slice %arg7[%dma_wait3A_331, %dma_wait3A_332, %dma_wait3A_333] : memref<5x80x128xf32, #tpu.memory_space<vmem>> -> memref<1x80x128xf32, #tpu.memory_space<vmem>>
    %dma_wait3A_335 = tpu.memref_squeeze %dma_wait3A_334 : memref<1x80x128xf32, #tpu.memory_space<vmem>> -> memref<80x128xf32, #tpu.memory_space<vmem>>
    %dma_wait3A_336 = arith.constant 0 : i32
    %dma_wait3A_337 = tpu.memref_slice %arg5[%dma_wait3A_330, %dma_wait3A_336] : memref<125x80xi32, #tpu.memory_space<vmem>> -> memref<1x80xi32, #tpu.memory_space<vmem>>
    %dma_wait3A_338 = tpu.memref_squeeze %dma_wait3A_337 : memref<1x80xi32, #tpu.memory_space<vmem>> -> memref<80xi32, #tpu.memory_space<vmem>>
    %dma_wait3A_339 = arith.constant 0 : i32
    %dma_wait3A_340 = arith.constant 0 : i32
    %dma_wait3A_341 = tpu.memref_slice %arg6[%dma_wait3A_339, %dma_wait3A_340] : memref<4x128xf32, #tpu.memory_space<vmem_shared>> -> memref<4x128xf32, #tpu.memory_space<vmem_shared>>
    tpu.wait_indirect_dma semaphore(%arg9 : memref<!tpu.dma_semaphore, #tpu.memory_space<semaphore_mem>>) src(%dma_wait3A_341 : memref<4x128xf32, #tpu.memory_space<vmem_shared>>) dst(%dma_wait3A_335 : memref<80x128xf32, #tpu.memory_space<vmem>>)
    %add3A_342 = arith.constant 9680 : i32
    %add3A_343 = arith.addi %mul3A_2, %add3A_342 : i32
    %dma_start3A_344 = arith.constant 1 : i32
    %dma_start3A_345 = arith.constant 0 : i32
    %dma_start3A_346 = arith.constant 0 : i32
    %dma_start3A_347 = tpu.memref_slice %arg7[%dma_start3A_344, %dma_start3A_345, %dma_start3A_346] : memref<5x80x128xf32, #tpu.memory_space<vmem>> -> memref<1x80x128xf32, #tpu.memory_space<vmem>>
    %dma_start3A_348 = tpu.memref_squeeze %dma_start3A_347 : memref<1x80x128xf32, #tpu.memory_space<vmem>> -> memref<80x128xf32, #tpu.memory_space<vmem>>
    %dma_start3A_349 = arith.constant 0 : i32
    %dma_start3A_350 = tpu.memref_slice %arg4[%add3A_343, %dma_start3A_349] : memref<320000x128xf32, #tpu.memory_space<hbm>> -> memref<80x128xf32, #tpu.memory_space<hbm>>
    %dma_start3A_351 = arith.constant 0 : i32
    %dma_start3A_352 = tpu.memref_slice %arg4[%add3A_343, %dma_start3A_351] : memref<320000x128xf32, #tpu.memory_space<hbm>> -> memref<80x128xf32, #tpu.memory_space<hbm>>
    %dma_start3A_353 = arith.constant 0 : i32
    %dma_start3A_354 = arith.constant 0 : i32
    %dma_start3A_355 = tpu.memref_slice %arg7[%dma_start3A_344, %dma_start3A_353, %dma_start3A_354] : memref<5x80x128xf32, #tpu.memory_space<vmem>> -> memref<1x80x128xf32, #tpu.memory_space<vmem>>
    %dma_start3A_356 = tpu.memref_squeeze %dma_start3A_355 : memref<1x80x128xf32, #tpu.memory_space<vmem>> -> memref<80x128xf32, #tpu.memory_space<vmem>>
    tpu.enqueue_dma source(%dma_start3A_356 : memref<80x128xf32, #tpu.memory_space<vmem>>) target(%dma_start3A_352 : memref<80x128xf32, #tpu.memory_space<hbm>>) target_semaphore(%arg14 : memref<!tpu.dma_semaphore, #tpu.memory_space<semaphore_mem>>)
    %dma_wait3A_357 = arith.constant 4 : i32
    %dma_wait3A_358 = arith.constant 0 : i32
    %dma_wait3A_359 = arith.constant 0 : i32
    %dma_wait3A_360 = tpu.memref_slice %arg7[%dma_wait3A_357, %dma_wait3A_358, %dma_wait3A_359] : memref<5x80x128xf32, #tpu.memory_space<vmem>> -> memref<1x80x128xf32, #tpu.memory_space<vmem>>
    %dma_wait3A_361 = tpu.memref_squeeze %dma_wait3A_360 : memref<1x80x128xf32, #tpu.memory_space<vmem>> -> memref<80x128xf32, #tpu.memory_space<vmem>>
    %dma_wait3A_362 = arith.constant 0 : i32
    %dma_wait3A_363 = tpu.memref_slice %arg4[%mul3A_2, %dma_wait3A_362] : memref<320000x128xf32, #tpu.memory_space<hbm>> -> memref<80x128xf32, #tpu.memory_space<hbm>>
    %dma_wait3A_364 = arith.constant 0 : i32
    %dma_wait3A_365 = tpu.memref_slice %arg4[%mul3A_2, %dma_wait3A_364] : memref<320000x128xf32, #tpu.memory_space<hbm>> -> memref<80x128xf32, #tpu.memory_space<hbm>>
    %dma_wait3A_366 = arith.constant 0 : i32
    %dma_wait3A_367 = arith.constant 0 : i32
    %dma_wait3A_368 = tpu.memref_slice %arg7[%dma_wait3A_357, %dma_wait3A_366, %dma_wait3A_367] : memref<5x80x128xf32, #tpu.memory_space<vmem>> -> memref<1x80x128xf32, #tpu.memory_space<vmem>>
    %dma_wait3A_369 = tpu.memref_squeeze %dma_wait3A_368 : memref<1x80x128xf32, #tpu.memory_space<vmem>> -> memref<80x128xf32, #tpu.memory_space<vmem>>
    tpu.wait_dma2 semaphore(%arg17 : memref<!tpu.dma_semaphore, #tpu.memory_space<semaphore_mem>>) src(%dma_wait3A_369 : memref<80x128xf32, #tpu.memory_space<vmem>>) dst(%dma_wait3A_365 : memref<80x128xf32, #tpu.memory_space<hbm>>)
    %dma_start3A_370 = arith.constant 124 : i32
    %dma_start3A_371 = arith.constant 4 : i32
    %dma_start3A_372 = arith.constant 0 : i32
    %dma_start3A_373 = arith.constant 0 : i32
    %dma_start3A_374 = tpu.memref_slice %arg7[%dma_start3A_371, %dma_start3A_372, %dma_start3A_373] : memref<5x80x128xf32, #tpu.memory_space<vmem>> -> memref<1x80x128xf32, #tpu.memory_space<vmem>>
    %dma_start3A_375 = tpu.memref_squeeze %dma_start3A_374 : memref<1x80x128xf32, #tpu.memory_space<vmem>> -> memref<80x128xf32, #tpu.memory_space<vmem>>
    %dma_start3A_376 = arith.constant 0 : i32
    %dma_start3A_377 = tpu.memref_slice %arg5[%dma_start3A_370, %dma_start3A_376] : memref<125x80xi32, #tpu.memory_space<vmem>> -> memref<1x80xi32, #tpu.memory_space<vmem>>
    %dma_start3A_378 = tpu.memref_squeeze %dma_start3A_377 : memref<1x80xi32, #tpu.memory_space<vmem>> -> memref<80xi32, #tpu.memory_space<vmem>>
    %dma_start3A_379 = arith.constant 0 : i32
    %dma_start3A_380 = arith.constant 0 : i32
    %dma_start3A_381 = tpu.memref_slice %arg6[%dma_start3A_379, %dma_start3A_380] : memref<4x128xf32, #tpu.memory_space<vmem_shared>> -> memref<4x128xf32, #tpu.memory_space<vmem_shared>>
    tpu.enqueue_indirect_dma source(%dma_start3A_381 : memref<4x128xf32, #tpu.memory_space<vmem_shared>>) target(%dma_start3A_375 : memref<80x128xf32, #tpu.memory_space<vmem>>) offsets(%dma_start3A_378 : memref<80xi32, #tpu.memory_space<vmem>>) semaphore(%arg12 : memref<!tpu.dma_semaphore, #tpu.memory_space<semaphore_mem>>)
    %dma_wait3A_382 = arith.constant 122 : i32
    %dma_wait3A_383 = arith.constant 2 : i32
    %dma_wait3A_384 = arith.constant 0 : i32
    %dma_wait3A_385 = arith.constant 0 : i32
    %dma_wait3A_386 = tpu.memref_slice %arg7[%dma_wait3A_383, %dma_wait3A_384, %dma_wait3A_385] : memref<5x80x128xf32, #tpu.memory_space<vmem>> -> memref<1x80x128xf32, #tpu.memory_space<vmem>>
    %dma_wait3A_387 = tpu.memref_squeeze %dma_wait3A_386 : memref<1x80x128xf32, #tpu.memory_space<vmem>> -> memref<80x128xf32, #tpu.memory_space<vmem>>
    %dma_wait3A_388 = arith.constant 0 : i32
    %dma_wait3A_389 = tpu.memref_slice %arg5[%dma_wait3A_382, %dma_wait3A_388] : memref<125x80xi32, #tpu.memory_space<vmem>> -> memref<1x80xi32, #tpu.memory_space<vmem>>
    %dma_wait3A_390 = tpu.memref_squeeze %dma_wait3A_389 : memref<1x80xi32, #tpu.memory_space<vmem>> -> memref<80xi32, #tpu.memory_space<vmem>>
    %dma_wait3A_391 = arith.constant 0 : i32
    %dma_wait3A_392 = arith.constant 0 : i32
    %dma_wait3A_393 = tpu.memref_slice %arg6[%dma_wait3A_391, %dma_wait3A_392] : memref<4x128xf32, #tpu.memory_space<vmem_shared>> -> memref<4x128xf32, #tpu.memory_space<vmem_shared>>
    tpu.wait_indirect_dma semaphore(%arg10 : memref<!tpu.dma_semaphore, #tpu.memory_space<semaphore_mem>>) src(%dma_wait3A_393 : memref<4x128xf32, #tpu.memory_space<vmem_shared>>) dst(%dma_wait3A_387 : memref<80x128xf32, #tpu.memory_space<vmem>>)
    %add3A_394 = arith.constant 9760 : i32
    %add3A_395 = arith.addi %mul3A_2, %add3A_394 : i32
    %dma_start3A_396 = arith.constant 2 : i32
    %dma_start3A_397 = arith.constant 0 : i32
    %dma_start3A_398 = arith.constant 0 : i32
    %dma_start3A_399 = tpu.memref_slice %arg7[%dma_start3A_396, %dma_start3A_397, %dma_start3A_398] : memref<5x80x128xf32, #tpu.memory_space<vmem>> -> memref<1x80x128xf32, #tpu.memory_space<vmem>>
    %dma_start3A_400 = tpu.memref_squeeze %dma_start3A_399 : memref<1x80x128xf32, #tpu.memory_space<vmem>> -> memref<80x128xf32, #tpu.memory_space<vmem>>
    %dma_start3A_401 = arith.constant 0 : i32
    %dma_start3A_402 = tpu.memref_slice %arg4[%add3A_395, %dma_start3A_401] : memref<320000x128xf32, #tpu.memory_space<hbm>> -> memref<80x128xf32, #tpu.memory_space<hbm>>
    %dma_start3A_403 = arith.constant 0 : i32
    %dma_start3A_404 = tpu.memref_slice %arg4[%add3A_395, %dma_start3A_403] : memref<320000x128xf32, #tpu.memory_space<hbm>> -> memref<80x128xf32, #tpu.memory_space<hbm>>
    %dma_start3A_405 = arith.constant 0 : i32
    %dma_start3A_406 = arith.constant 0 : i32
    %dma_start3A_407 = tpu.memref_slice %arg7[%dma_start3A_396, %dma_start3A_405, %dma_start3A_406] : memref<5x80x128xf32, #tpu.memory_space<vmem>> -> memref<1x80x128xf32, #tpu.memory_space<vmem>>
    %dma_start3A_408 = tpu.memref_squeeze %dma_start3A_407 : memref<1x80x128xf32, #tpu.memory_space<vmem>> -> memref<80x128xf32, #tpu.memory_space<vmem>>
    tpu.enqueue_dma source(%dma_start3A_408 : memref<80x128xf32, #tpu.memory_space<vmem>>) target(%dma_start3A_404 : memref<80x128xf32, #tpu.memory_space<hbm>>) target_semaphore(%arg15 : memref<!tpu.dma_semaphore, #tpu.memory_space<semaphore_mem>>)
    %dma_wait3A_409 = arith.constant 123 : i32
    %dma_wait3A_410 = arith.constant 3 : i32
    %dma_wait3A_411 = arith.constant 0 : i32
    %dma_wait3A_412 = arith.constant 0 : i32
    %dma_wait3A_413 = tpu.memref_slice %arg7[%dma_wait3A_410, %dma_wait3A_411, %dma_wait3A_412] : memref<5x80x128xf32, #tpu.memory_space<vmem>> -> memref<1x80x128xf32, #tpu.memory_space<vmem>>
    %dma_wait3A_414 = tpu.memref_squeeze %dma_wait3A_413 : memref<1x80x128xf32, #tpu.memory_space<vmem>> -> memref<80x128xf32, #tpu.memory_space<vmem>>
    %dma_wait3A_415 = arith.constant 0 : i32
    %dma_wait3A_416 = tpu.memref_slice %arg5[%dma_wait3A_409, %dma_wait3A_415] : memref<125x80xi32, #tpu.memory_space<vmem>> -> memref<1x80xi32, #tpu.memory_space<vmem>>
    %dma_wait3A_417 = tpu.memref_squeeze %dma_wait3A_416 : memref<1x80xi32, #tpu.memory_space<vmem>> -> memref<80xi32, #tpu.memory_space<vmem>>
    %dma_wait3A_418 = arith.constant 0 : i32
    %dma_wait3A_419 = arith.constant 0 : i32
    %dma_wait3A_420 = tpu.memref_slice %arg6[%dma_wait3A_418, %dma_wait3A_419] : memref<4x128xf32, #tpu.memory_space<vmem_shared>> -> memref<4x128xf32, #tpu.memory_space<vmem_shared>>
    tpu.wait_indirect_dma semaphore(%arg11 : memref<!tpu.dma_semaphore, #tpu.memory_space<semaphore_mem>>) src(%dma_wait3A_420 : memref<4x128xf32, #tpu.memory_space<vmem_shared>>) dst(%dma_wait3A_414 : memref<80x128xf32, #tpu.memory_space<vmem>>)
    %add3A_421 = arith.constant 9840 : i32
    %add3A_422 = arith.addi %mul3A_2, %add3A_421 : i32
    %dma_start3A_423 = arith.constant 3 : i32
    %dma_start3A_424 = arith.constant 0 : i32
    %dma_start3A_425 = arith.constant 0 : i32
    %dma_start3A_426 = tpu.memref_slice %arg7[%dma_start3A_423, %dma_start3A_424, %dma_start3A_425] : memref<5x80x128xf32, #tpu.memory_space<vmem>> -> memref<1x80x128xf32, #tpu.memory_space<vmem>>
    %dma_start3A_427 = tpu.memref_squeeze %dma_start3A_426 : memref<1x80x128xf32, #tpu.memory_space<vmem>> -> memref<80x128xf32, #tpu.memory_space<vmem>>
    %dma_start3A_428 = arith.constant 0 : i32
    %dma_start3A_429 = tpu.memref_slice %arg4[%add3A_422, %dma_start3A_428] : memref<320000x128xf32, #tpu.memory_space<hbm>> -> memref<80x128xf32, #tpu.memory_space<hbm>>
    %dma_start3A_430 = arith.constant 0 : i32
    %dma_start3A_431 = tpu.memref_slice %arg4[%add3A_422, %dma_start3A_430] : memref<320000x128xf32, #tpu.memory_space<hbm>> -> memref<80x128xf32, #tpu.memory_space<hbm>>
    %dma_start3A_432 = arith.constant 0 : i32
    %dma_start3A_433 = arith.constant 0 : i32
    %dma_start3A_434 = tpu.memref_slice %arg7[%dma_start3A_423, %dma_start3A_432, %dma_start3A_433] : memref<5x80x128xf32, #tpu.memory_space<vmem>> -> memref<1x80x128xf32, #tpu.memory_space<vmem>>
    %dma_start3A_435 = tpu.memref_squeeze %dma_start3A_434 : memref<1x80x128xf32, #tpu.memory_space<vmem>> -> memref<80x128xf32, #tpu.memory_space<vmem>>
    tpu.enqueue_dma source(%dma_start3A_435 : memref<80x128xf32, #tpu.memory_space<vmem>>) target(%dma_start3A_431 : memref<80x128xf32, #tpu.memory_space<hbm>>) target_semaphore(%arg16 : memref<!tpu.dma_semaphore, #tpu.memory_space<semaphore_mem>>)
    %dma_wait3A_436 = arith.constant 124 : i32
    %dma_wait3A_437 = arith.constant 4 : i32
    %dma_wait3A_438 = arith.constant 0 : i32
    %dma_wait3A_439 = arith.constant 0 : i32
    %dma_wait3A_440 = tpu.memref_slice %arg7[%dma_wait3A_437, %dma_wait3A_438, %dma_wait3A_439] : memref<5x80x128xf32, #tpu.memory_space<vmem>> -> memref<1x80x128xf32, #tpu.memory_space<vmem>>
    %dma_wait3A_441 = tpu.memref_squeeze %dma_wait3A_440 : memref<1x80x128xf32, #tpu.memory_space<vmem>> -> memref<80x128xf32, #tpu.memory_space<vmem>>
    %dma_wait3A_442 = arith.constant 0 : i32
    %dma_wait3A_443 = tpu.memref_slice %arg5[%dma_wait3A_436, %dma_wait3A_442] : memref<125x80xi32, #tpu.memory_space<vmem>> -> memref<1x80xi32, #tpu.memory_space<vmem>>
    %dma_wait3A_444 = tpu.memref_squeeze %dma_wait3A_443 : memref<1x80xi32, #tpu.memory_space<vmem>> -> memref<80xi32, #tpu.memory_space<vmem>>
    %dma_wait3A_445 = arith.constant 0 : i32
    %dma_wait3A_446 = arith.constant 0 : i32
    %dma_wait3A_447 = tpu.memref_slice %arg6[%dma_wait3A_445, %dma_wait3A_446] : memref<4x128xf32, #tpu.memory_space<vmem_shared>> -> memref<4x128xf32, #tpu.memory_space<vmem_shared>>
    tpu.wait_indirect_dma semaphore(%arg12 : memref<!tpu.dma_semaphore, #tpu.memory_space<semaphore_mem>>) src(%dma_wait3A_447 : memref<4x128xf32, #tpu.memory_space<vmem_shared>>) dst(%dma_wait3A_441 : memref<80x128xf32, #tpu.memory_space<vmem>>)
    %add3A_448 = arith.constant 9920 : i32
    %add3A_449 = arith.addi %mul3A_2, %add3A_448 : i32
    %dma_start3A_450 = arith.constant 4 : i32
    %dma_start3A_451 = arith.constant 0 : i32
    %dma_start3A_452 = arith.constant 0 : i32
    %dma_start3A_453 = tpu.memref_slice %arg7[%dma_start3A_450, %dma_start3A_451, %dma_start3A_452] : memref<5x80x128xf32, #tpu.memory_space<vmem>> -> memref<1x80x128xf32, #tpu.memory_space<vmem>>
    %dma_start3A_454 = tpu.memref_squeeze %dma_start3A_453 : memref<1x80x128xf32, #tpu.memory_space<vmem>> -> memref<80x128xf32, #tpu.memory_space<vmem>>
    %dma_start3A_455 = arith.constant 0 : i32
    %dma_start3A_456 = tpu.memref_slice %arg4[%add3A_449, %dma_start3A_455] : memref<320000x128xf32, #tpu.memory_space<hbm>> -> memref<80x128xf32, #tpu.memory_space<hbm>>
    %dma_start3A_457 = arith.constant 0 : i32
    %dma_start3A_458 = tpu.memref_slice %arg4[%add3A_449, %dma_start3A_457] : memref<320000x128xf32, #tpu.memory_space<hbm>> -> memref<80x128xf32, #tpu.memory_space<hbm>>
    %dma_start3A_459 = arith.constant 0 : i32
    %dma_start3A_460 = arith.constant 0 : i32
    %dma_start3A_461 = tpu.memref_slice %arg7[%dma_start3A_450, %dma_start3A_459, %dma_start3A_460] : memref<5x80x128xf32, #tpu.memory_space<vmem>> -> memref<1x80x128xf32, #tpu.memory_space<vmem>>
    %dma_start3A_462 = tpu.memref_squeeze %dma_start3A_461 : memref<1x80x128xf32, #tpu.memory_space<vmem>> -> memref<80x128xf32, #tpu.memory_space<vmem>>
    tpu.enqueue_dma source(%dma_start3A_462 : memref<80x128xf32, #tpu.memory_space<vmem>>) target(%dma_start3A_458 : memref<80x128xf32, #tpu.memory_space<hbm>>) target_semaphore(%arg17 : memref<!tpu.dma_semaphore, #tpu.memory_space<semaphore_mem>>)
    %dma_wait3A_463 = arith.constant 0 : i32
    %dma_wait3A_464 = arith.constant 0 : i32
    %dma_wait3A_465 = arith.constant 0 : i32
    %dma_wait3A_466 = tpu.memref_slice %arg7[%dma_wait3A_463, %dma_wait3A_464, %dma_wait3A_465] : memref<5x80x128xf32, #tpu.memory_space<vmem>> -> memref<1x80x128xf32, #tpu.memory_space<vmem>>
    %dma_wait3A_467 = tpu.memref_squeeze %dma_wait3A_466 : memref<1x80x128xf32, #tpu.memory_space<vmem>> -> memref<80x128xf32, #tpu.memory_space<vmem>>
    %dma_wait3A_468 = arith.constant 0 : i32
    %dma_wait3A_469 = tpu.memref_slice %arg4[%mul3A_2, %dma_wait3A_468] : memref<320000x128xf32, #tpu.memory_space<hbm>> -> memref<80x128xf32, #tpu.memory_space<hbm>>
    %dma_wait3A_470 = arith.constant 0 : i32
    %dma_wait3A_471 = tpu.memref_slice %arg4[%mul3A_2, %dma_wait3A_470] : memref<320000x128xf32, #tpu.memory_space<hbm>> -> memref<80x128xf32, #tpu.memory_space<hbm>>
    %dma_wait3A_472 = arith.constant 0 : i32
    %dma_wait3A_473 = arith.constant 0 : i32
    %dma_wait3A_474 = tpu.memref_slice %arg7[%dma_wait3A_463, %dma_wait3A_472, %dma_wait3A_473] : memref<5x80x128xf32, #tpu.memory_space<vmem>> -> memref<1x80x128xf32, #tpu.memory_space<vmem>>
    %dma_wait3A_475 = tpu.memref_squeeze %dma_wait3A_474 : memref<1x80x128xf32, #tpu.memory_space<vmem>> -> memref<80x128xf32, #tpu.memory_space<vmem>>
    tpu.wait_dma2 semaphore(%arg13 : memref<!tpu.dma_semaphore, #tpu.memory_space<semaphore_mem>>) src(%dma_wait3A_475 : memref<80x128xf32, #tpu.memory_space<vmem>>) dst(%dma_wait3A_471 : memref<80x128xf32, #tpu.memory_space<hbm>>)
    %dma_wait3A_476 = arith.constant 1 : i32
    %dma_wait3A_477 = arith.constant 0 : i32
    %dma_wait3A_478 = arith.constant 0 : i32
    %dma_wait3A_479 = tpu.memref_slice %arg7[%dma_wait3A_476, %dma_wait3A_477, %dma_wait3A_478] : memref<5x80x128xf32, #tpu.memory_space<vmem>> -> memref<1x80x128xf32, #tpu.memory_space<vmem>>
    %dma_wait3A_480 = tpu.memref_squeeze %dma_wait3A_479 : memref<1x80x128xf32, #tpu.memory_space<vmem>> -> memref<80x128xf32, #tpu.memory_space<vmem>>
    %dma_wait3A_481 = arith.constant 0 : i32
    %dma_wait3A_482 = tpu.memref_slice %arg4[%mul3A_2, %dma_wait3A_481] : memref<320000x128xf32, #tpu.memory_space<hbm>> -> memref<80x128xf32, #tpu.memory_space<hbm>>
    %dma_wait3A_483 = arith.constant 0 : i32
    %dma_wait3A_484 = tpu.memref_slice %arg4[%mul3A_2, %dma_wait3A_483] : memref<320000x128xf32, #tpu.memory_space<hbm>> -> memref<80x128xf32, #tpu.memory_space<hbm>>
    %dma_wait3A_485 = arith.constant 0 : i32
    %dma_wait3A_486 = arith.constant 0 : i32
    %dma_wait3A_487 = tpu.memref_slice %arg7[%dma_wait3A_476, %dma_wait3A_485, %dma_wait3A_486] : memref<5x80x128xf32, #tpu.memory_space<vmem>> -> memref<1x80x128xf32, #tpu.memory_space<vmem>>
    %dma_wait3A_488 = tpu.memref_squeeze %dma_wait3A_487 : memref<1x80x128xf32, #tpu.memory_space<vmem>> -> memref<80x128xf32, #tpu.memory_space<vmem>>
    tpu.wait_dma2 semaphore(%arg14 : memref<!tpu.dma_semaphore, #tpu.memory_space<semaphore_mem>>) src(%dma_wait3A_488 : memref<80x128xf32, #tpu.memory_space<vmem>>) dst(%dma_wait3A_484 : memref<80x128xf32, #tpu.memory_space<hbm>>)
    %dma_wait3A_489 = arith.constant 2 : i32
    %dma_wait3A_490 = arith.constant 0 : i32
    %dma_wait3A_491 = arith.constant 0 : i32
    %dma_wait3A_492 = tpu.memref_slice %arg7[%dma_wait3A_489, %dma_wait3A_490, %dma_wait3A_491] : memref<5x80x128xf32, #tpu.memory_space<vmem>> -> memref<1x80x128xf32, #tpu.memory_space<vmem>>
    %dma_wait3A_493 = tpu.memref_squeeze %dma_wait3A_492 : memref<1x80x128xf32, #tpu.memory_space<vmem>> -> memref<80x128xf32, #tpu.memory_space<vmem>>
    %dma_wait3A_494 = arith.constant 0 : i32
    %dma_wait3A_495 = tpu.memref_slice %arg4[%mul3A_2, %dma_wait3A_494] : memref<320000x128xf32, #tpu.memory_space<hbm>> -> memref<80x128xf32, #tpu.memory_space<hbm>>
    %dma_wait3A_496 = arith.constant 0 : i32
    %dma_wait3A_497 = tpu.memref_slice %arg4[%mul3A_2, %dma_wait3A_496] : memref<320000x128xf32, #tpu.memory_space<hbm>> -> memref<80x128xf32, #tpu.memory_space<hbm>>
    %dma_wait3A_498 = arith.constant 0 : i32
    %dma_wait3A_499 = arith.constant 0 : i32
    %dma_wait3A_500 = tpu.memref_slice %arg7[%dma_wait3A_489, %dma_wait3A_498, %dma_wait3A_499] : memref<5x80x128xf32, #tpu.memory_space<vmem>> -> memref<1x80x128xf32, #tpu.memory_space<vmem>>
    %dma_wait3A_501 = tpu.memref_squeeze %dma_wait3A_500 : memref<1x80x128xf32, #tpu.memory_space<vmem>> -> memref<80x128xf32, #tpu.memory_space<vmem>>
    tpu.wait_dma2 semaphore(%arg15 : memref<!tpu.dma_semaphore, #tpu.memory_space<semaphore_mem>>) src(%dma_wait3A_501 : memref<80x128xf32, #tpu.memory_space<vmem>>) dst(%dma_wait3A_497 : memref<80x128xf32, #tpu.memory_space<hbm>>)
    %dma_wait3A_502 = arith.constant 3 : i32
    %dma_wait3A_503 = arith.constant 0 : i32
    %dma_wait3A_504 = arith.constant 0 : i32
    %dma_wait3A_505 = tpu.memref_slice %arg7[%dma_wait3A_502, %dma_wait3A_503, %dma_wait3A_504] : memref<5x80x128xf32, #tpu.memory_space<vmem>> -> memref<1x80x128xf32, #tpu.memory_space<vmem>>
    %dma_wait3A_506 = tpu.memref_squeeze %dma_wait3A_505 : memref<1x80x128xf32, #tpu.memory_space<vmem>> -> memref<80x128xf32, #tpu.memory_space<vmem>>
    %dma_wait3A_507 = arith.constant 0 : i32
    %dma_wait3A_508 = tpu.memref_slice %arg4[%mul3A_2, %dma_wait3A_507] : memref<320000x128xf32, #tpu.memory_space<hbm>> -> memref<80x128xf32, #tpu.memory_space<hbm>>
    %dma_wait3A_509 = arith.constant 0 : i32
    %dma_wait3A_510 = tpu.memref_slice %arg4[%mul3A_2, %dma_wait3A_509] : memref<320000x128xf32, #tpu.memory_space<hbm>> -> memref<80x128xf32, #tpu.memory_space<hbm>>
    %dma_wait3A_511 = arith.constant 0 : i32
    %dma_wait3A_512 = arith.constant 0 : i32
    %dma_wait3A_513 = tpu.memref_slice %arg7[%dma_wait3A_502, %dma_wait3A_511, %dma_wait3A_512] : memref<5x80x128xf32, #tpu.memory_space<vmem>> -> memref<1x80x128xf32, #tpu.memory_space<vmem>>
    %dma_wait3A_514 = tpu.memref_squeeze %dma_wait3A_513 : memref<1x80x128xf32, #tpu.memory_space<vmem>> -> memref<80x128xf32, #tpu.memory_space<vmem>>
    tpu.wait_dma2 semaphore(%arg16 : memref<!tpu.dma_semaphore, #tpu.memory_space<semaphore_mem>>) src(%dma_wait3A_514 : memref<80x128xf32, #tpu.memory_space<vmem>>) dst(%dma_wait3A_510 : memref<80x128xf32, #tpu.memory_space<hbm>>)
    %dma_wait3A_515 = arith.constant 4 : i32
    %dma_wait3A_516 = arith.constant 0 : i32
    %dma_wait3A_517 = arith.constant 0 : i32
    %dma_wait3A_518 = tpu.memref_slice %arg7[%dma_wait3A_515, %dma_wait3A_516, %dma_wait3A_517] : memref<5x80x128xf32, #tpu.memory_space<vmem>> -> memref<1x80x128xf32, #tpu.memory_space<vmem>>
    %dma_wait3A_519 = tpu.memref_squeeze %dma_wait3A_518 : memref<1x80x128xf32, #tpu.memory_space<vmem>> -> memref<80x128xf32, #tpu.memory_space<vmem>>
    %dma_wait3A_520 = arith.constant 0 : i32
    %dma_wait3A_521 = tpu.memref_slice %arg4[%mul3A_2, %dma_wait3A_520] : memref<320000x128xf32, #tpu.memory_space<hbm>> -> memref<80x128xf32, #tpu.memory_space<hbm>>
    %dma_wait3A_522 = arith.constant 0 : i32
    %dma_wait3A_523 = tpu.memref_slice %arg4[%mul3A_2, %dma_wait3A_522] : memref<320000x128xf32, #tpu.memory_space<hbm>> -> memref<80x128xf32, #tpu.memory_space<hbm>>
    %dma_wait3A_524 = arith.constant 0 : i32
    %dma_wait3A_525 = arith.constant 0 : i32
    %dma_wait3A_526 = tpu.memref_slice %arg7[%dma_wait3A_515, %dma_wait3A_524, %dma_wait3A_525] : memref<5x80x128xf32, #tpu.memory_space<vmem>> -> memref<1x80x128xf32, #tpu.memory_space<vmem>>
    %dma_wait3A_527 = tpu.memref_squeeze %dma_wait3A_526 : memref<1x80x128xf32, #tpu.memory_space<vmem>> -> memref<80x128xf32, #tpu.memory_space<vmem>>
    tpu.wait_dma2 semaphore(%arg17 : memref<!tpu.dma_semaphore, #tpu.memory_space<semaphore_mem>>) src(%dma_wait3A_527 : memref<80x128xf32, #tpu.memory_space<vmem>>) dst(%dma_wait3A_523 : memref<80x128xf32, #tpu.memory_space<hbm>>)
    return
  }
}

</mosaic_0001>

<sc_bundles>
// kernel: kernel.3.cloned.1.call-start
scs
__scs_entry_jumppad:
0x0: {  	(pc) =	sbr.rel $0x88, $3  }
0x1: {  	(tag) =	ssettag $0x0;
	lr =	simm.s32 $0x1  }
0x2: {  	[smem:$0x3F9F] =	sst lr;
	_ =	strace $0xD0000000  }
0x3: {  	_ = 	snop  }
0x4: {  	_ = 	snop  }
0x5: {  	_ = 	snop  }
0x6: {  	_ = 	snop  }
0x7: {  	_ = 	snop  }
__scs_overlays_trampoline_lowered:
0x8: {  	[smem:$0x3FAE] =	sst s0  }
0x9: {  	[smem:$0x3FAF] =	sst s1  }
0xa: {  	[smem:$0x3FB0] =	sst s2  }
0xb: {  	[smem:$0x3FB1] =	sst s3  }
0xc: {  	[smem:$0x3FB2] =	sst s4  }
0xd: {  	[smem:$0x3FB3] =	sst s5  }
0xe: {  	[smem:$0x3FB4] =	sst s6  }
0xf: {  	[smem:$0x3FB5] =	sst s7  }
0x10: {  	[smem:$0x3FB6] =	sst s8  }
0x11: {  	[smem:$0x3FB7] =	sst s9;
	s0 =	simm.s32 @!p0 $0x0  }
0x12: {  	s1 =	sld [smem:$0x3F9D];
	s0 =	simm.s32 @p0 $0x1  }
0x13: {  	[smem:$0x3FB8] =	sst s0;
	s0 =	simm.s32 @!p1 $0x0  }
0x14: {  	s2 =	sld [smem:$0x3F9C];
	s0 =	simm.s32 @p1 $0x1  }
0x15: {  	[smem:$0x3FB9] =	sst s0;
	s0 =	simm.s32 @!p2 $0x0  }
0x16: {  	s3 =	sld [smem:$0x3FDB];
	s0 =	simm.s32 @p2 $0x1  }
0x17: {  	s4 =	simm.s32 $0x1BF5;
	[smem:$0x3FBB] =	sst s0  }
0x18: {  	s0 =	sld [smem:$0x3F9E];
	_ =	swait.ge [sflag:s4], $0x0  }
0x19: {  	s7 =	sld [smem:$0x3F9F]  }
0x1a: {  	s8 =	sadd.s32 $0xFFFFE003, lr  }
0x1b: {  	s9 =	sadd.s32 $0xFFFFFEF7, lr;
	s5 =	simm.s32 $0xFFFFFFFF;
	p2 =	slt.u32 s8, $0xFFFFF086  }
0x1c: {  	p1 =	slt.u32 s9, $0xF7A;
	s5 =	simm.s32 @!p2 $0x0  }
0x1d: {  	s5 =	simm.s32 @p1 $0x1;
	p0 =	seq.s32 s7, s2  }
0x1e: {  	s7 =	smul.u32 @!p0 $0xF7A, s2;
	p2 =	seq.s32 @!p0 s5, $0x0  }
0x1f: {  	s9 =	smul.u32 $0xF7A, s1;
	s8 =	simm.s32 @!p0 $0x1BF5;
	p2 =	por !p2, p0  }
0x20: {  	[sflag:s8] =	ssyncset.s32 @!p0 $0xFFFFF086;
	s6 =	sadd.s32 @!p0 s3, s7;
	s7 =	simm.s32 @!p0 $0x108  }
0x21: {  	s3 =	sadd.s32 s3, s9;
	s6 =	sadd.s32 @!p0 $0x88, s6;
	s7 =	simm.s32 @p2 $0x1082  }
0x22: {  	[simem:s7], [sflag:s8] =	dma.local @!p0 [hbm:s6], $0xF7A  }
0x23: {  	s9 =	sor.u32 $0xD0000000, s2;
	s6 =	simm.s32 $0x108;
	_ =	swait.ge @!p0 [sflag:s8], $0x0  }
0x24: {  	s3 =	sadd.s32 $0x88, s3;
	s6 =	simm.s32 @!p1 $0x1082;
	[sflag:s4] =	ssyncset.s32 $0xFFFFF086  }
0x25: {  	[simem:s6], [sflag:s4] =	dma.local [hbm:s3], $0xF7A  }
0x26: {  	[smem:$0x3F9F] =	sst s1;
	(tag) =	ssettag s2;
	_ =	strace s9  }
0x27: {  	s1 =	sld [smem:$0x3FAF]  }
0x28: {  	s2 =	sld [smem:$0x3FB0]  }
0x29: {  	s4 =	sld [smem:$0x3FB2]  }
0x2a: {  	p0 =	seq.s32 s5, $0x0;
	s5 =	sld [smem:$0x3FB3]  }
0x2b: {  	s6 =	sld [smem:$0x3FB4]  }
0x2c: {  	s7 =	sld [smem:$0x3FB5]  }
0x2d: {  	s3 =	simm.s32 $0x108;
	s8 =	sld [smem:$0x3FB6]  }
0x2e: {  	s3 =	simm.s32 @!p0 $0x1082;
	s9 =	sld [smem:$0x3FB7]  }
0x2f: {  	lr =	sadd.s32 s0, s3;
	s0 =	sld [smem:$0x3FAE]  }
0x30: {  	s3 =	sld [smem:$0x3FB1]  }
0x31: {  	[smem:$0x3FBA] =	sst s10  }
0x32: {  	s10 =	sld [smem:$0x3FB8];
	_ =	sdelay $0x3  }
0x33: {  	p0 =	seq.s32 s10, $0x1;
	s10 =	sld [smem:$0x3FBA];
	_ =	sdelay $0x3  }
0x34: {  	[smem:$0x3FBA] =	sst s10  }
0x35: {  	s10 =	sld [smem:$0x3FB9];
	_ =	sdelay $0x3  }
0x36: {  	p1 =	seq.s32 s10, $0x1;
	s10 =	sld [smem:$0x3FBA];
	_ =	sdelay $0x3  }
0x37: {  	[smem:$0x3FBA] =	sst s10  }
0x38: {  	s10 =	sld [smem:$0x3FBB]  }
0x39: {  	_ = 	snop;
	(pc) =	sbr.ind lr, $3  }
0x3a: {  	_ = 	snop  }
0x3b: {  	_ = 	snop  }
0x3c: {  	p2 =	seq.s32 s10, $0x1;
	s10 =	sld [smem:$0x3FBA]  }
0x3d: {  	_ =	shalt  }
0x3e: {  	_ =	shalt  }
0x3f: {  	_ =	shalt  }
0x40: {  	_ =	shalt  }
0x41: {  	_ =	shalt  }
0x42: {  	_ =	shalt  }
0x43: {  	_ =	shalt  }
0x44: {  	_ =	shalt  }
0x45: {  	_ =	shalt  }
0x46: {  	_ =	shalt  }
0x47: {  	_ =	shalt  }
0x48: {  	_ =	shalt  }
0x49: {  	_ =	shalt  }
0x4a: {  	_ =	shalt  }
0x4b: {  	_ =	shalt  }
0x4c: {  	_ =	shalt  }
0x4d: {  	_ =	shalt  }
0x4e: {  	_ =	shalt  }
0x4f: {  	_ =	shalt  }
0x50: {  	_ =	shalt  }
0x51: {  	_ =	shalt  }
0x52: {  	_ =	shalt  }
0x53: {  	_ =	shalt  }
0x54: {  	_ =	shalt  }
0x55: {  	_ =	shalt  }
0x56: {  	_ =	shalt  }
0x57: {  	_ =	shalt  }
0x58: {  	_ =	shalt  }
0x59: {  	_ =	shalt  }
0x5a: {  	_ =	shalt  }
0x5b: {  	_ =	shalt  }
0x5c: {  	_ =	shalt  }
0x5d: {  	_ =	shalt  }
0x5e: {  	_ =	shalt  }
0x5f: {  	_ =	shalt  }
0x60: {  	_ =	shalt  }
0x61: {  	_ =	shalt  }
0x62: {  	_ =	shalt  }
0x63: {  	_ =	shalt  }
0x64: {  	_ =	shalt  }
0x65: {  	_ =	shalt  }
0x66: {  	_ =	shalt  }
0x67: {  	_ =	shalt  }
0x68: {  	_ =	shalt  }
0x69: {  	_ =	shalt  }
0x6a: {  	_ =	shalt  }
0x6b: {  	_ =	shalt  }
0x6c: {  	_ =	shalt  }
0x6d: {  	_ =	shalt  }
0x6e: {  	_ =	shalt  }
0x6f: {  	_ =	shalt  }
0x70: {  	_ =	shalt  }
0x71: {  	_ =	shalt  }
0x72: {  	_ =	shalt  }
0x73: {  	_ =	shalt  }
0x74: {  	_ =	shalt  }
0x75: {  	_ =	shalt  }
0x76: {  	_ =	shalt  }
0x77: {  	_ =	shalt  }
0x78: {  	_ =	shalt  }
0x79: {  	_ =	shalt  }
0x7a: {  	_ =	shalt  }
0x7b: {  	_ =	shalt  }
0x7c: {  	_ =	shalt  }
0x7d: {  	_ =	shalt  }
0x7e: {  	_ =	shalt  }
0x7f: {  	_ =	shalt  }
0x80: {  	_ =	shalt  }
0x81: {  	_ =	shalt  }
0x82: {  	_ =	shalt  }
0x83: {  	_ =	shalt  }
0x84: {  	_ =	shalt  }
0x85: {  	_ =	shalt  }
0x86: {  	_ =	shalt  }
0x87: {  	_ =	shalt  }
.Lfunc_end0:
.L_simem_size_0:
called_computation_lowered:
.L_overlay_start_0:
0x88: {  	s2 =	sld [smem:$0x3FD9]  }
0x89: {  	s3 =	sld [smem:$0x3FFE];
	_ =	sdelay $0x1  }
0x8a: {  	s1 =	srdreg.scid  }
0x8b: {  	s0 =	sand.u32 $0x1, s1  }
0x8c: {  	s17 =	sshll.u32 s0, $0xA;
	s2 =	sadd.s32 s3, s2  }
0x8d: {  	s2 =	sadd.s32 s2, s17  }
0x8e: {  	[smem:$0x3FC6] =	sst s2  }
0x8f: {  	_ = 	snop  }
0x90: {  	s2 =	sld [smem:$0x3FC8]  }
0x91: {  	s18 =	sld [smem:$0x3FD0];
	(tm) =	ssettm $0x1  }
0x92: {  	s4 =	sld [smem:$0x3FFB];
	_ =	sdelay $0x3  }
0x93: {  	_ =	strace s4  }
0x94: {  	s4 =	sld [smem:$0x3FFC];
	_ =	sdelay $0x3  }
0x95: {  	_ =	strace s4  }
0x96: {  	s4 =	sld [smem:$0x3FFD];
	_ =	sdelay $0x3  }
0x97: {  	_ =	strace s4  }
0x98: {  	_ =	strace $0x8FFFFFFF  }
0x99: {  	s19 =	sld [smem:$0x3FDB];
	_ =	sdelay $0x1  }
0x9a: {  	s5 =	simm.s32 $_scs_section_size  }
0x9b: {  	s6 =	simm.s32 $_size__tile_overlayer_lowered;
	s7 =	simm.s32 $_tile_overlayer_lowered  }
0x9c: {  	s22 =	simm.s32 $0x1BFF;
	s21 =	sshll.u32 s7, $0x1;
	s4 =	sadd.s32 s5, s19  }
0x9d: {  	s8 =	simm.s32 $0x0;
	s20 =	sshll.u32 s6, $0x1;
	s6 =	sadd.s32 s21, s4  }
0x9e: {  	[timem:s8], [sflag:s22] =	dma.local [hbm:s6], s20  }
0x9f: {  	_ =	swait.ge [sflag:s22], s20  }
0xa0: {  	s5 =	ssub.s32 $0x0, s20;
	[sflag:s22] =	ssyncset.done $0x0  }
0xa1: {  	[sflag:s22] =	ssyncadd.s32 s5;
	_ =	sdelay $0x1  }
0xa2: {  	s23 =	simm.s32 $0x1B8B  }
0xa3: {  	_ =	swait.ge [sflag:s23], $0x1  }
0xa4: {  	[sflag:s23] =	ssyncset.done $0x0  }
0xa5: {  	s25 =	simm.s32 $0x1B8E;
	s24 =	sld [smem:$0x3FFE];
	[sflag:s23] =	ssyncadd.s32 $0xFFFFFFFF  }
0xa6: {  	s26 =	simm.s32 $execute0_lowered;
	[smem:$0x3FD2] =	sst s25  }
0xa7: {  	s6 =	sshll.u32 s26, $0x1;
	_ =	strace $0x80000046;
	[dreg:$0x1] =	wrdreg $0xFFFFFFFF  }
0xa8: {  	s28 =	simm.s32 $_size_execute0_lowered;
	s4 =	sadd.s32 s4, s6;
	[dreg:$0x0] =	wrdreg $0x0  }
0xa9: {  	s6 =	sshll.u32 s28, $0x1;
	[dreg:$0x2] =	wrdreg s4  }
0xaa: {  	[dreg:$0x3] =	wrdreg s6  }
0xab: {  	[dreg:$0x4] =	wrdreg $0xC0  }
0xac: {  	_ =	task [dreg:s8], $0x5FFFF  }
0xad: {  	[dreg:$0x1] =	wrdreg $0xFFFFFFFF  }
0xae: {  	[dreg:$0x0] =	wrdreg $0x60  }
0xaf: {  	[dreg:$0x2] =	wrdreg s24  }
0xb0: {  	[dreg:$0x3] =	wrdreg s2  }
0xb1: {  	[dreg:$0x4] =	wrdreg s18  }
0xb2: {  	[dreg:$0x5] =	wrdreg $0x40000  }
0xb3: {  	[dreg:$0x6] =	wrdreg $0x9  }
0xb4: {  	_ =	task.clear_ibuf [dreg:s8], $0x7FFFF;
	_ =	strace $0x90000046  }
0xb5: {  	s29 =	simm.s32 $0x9;
	_ =	strace $0x80000048  }
0xb6: {  	_ =	swait.ge [sflag:s29], $0x1  }
0xb7: {  	[sflag:s29] =	ssyncadd.s32 $0xFFFFFFFF  }
0xb8: {  	_ =	strace $0x90000048  }
0xb9: {  	_ =	sfence  }
0xba: {  	s30 =	sld [smem:$0x0];
	_ =	sdelay $0x2  }
0xbb: {  	s31 =	sshll.u32 s1, $0xD;
	s1 =	sshrl.u32 s1, $0x2  }
0xbc: {  	s3 =	sand.u32 $0x4000, s31;
	s1 =	sadd.s32 s1, s30  }
0xbd: {  	s0 =	sor.u32 s3, s0;
	s1 =	sshll.u32 s1, $0x11  }
0xbe: {  	s0 =	sor.u32 s1, s0  }
0xbf: {  	s0 =	sadd.s32 $0x8F2B, s0  }
0xc0: {  	[sflag:s0] =	ssyncadd.remote.s32 $0x1  }
0xc1: {  	_ =	sfence.sel $0xFFFF  }
0xc2: {  	[dreg:$0x0] =	wrdreg $0xFFFFFFFF;
	(pc) =	sbr.abs _section_cstart, $3  }
0xc3: {  	[dreg:$0x1] =	wrdreg $0xFFFFFFFF  }
0xc4: {  	_ =	task.clear_ibuf [dreg:s8], $0x2FFFF;
	_ =	strace $0x9FFFFFFF  }
0xc5: {  	(tm) =	ssettm $0x7FFFFFFF  }
tec
execute0_lowered:
.L_overlay_start_1:
0x0: {  	(tag) =	ssettag $0x1  }
0x1: {  	s0 =	rddreg [dreg:$0x0]  }
0x2: {  	s1 =	rddreg [dreg:$0x2]  }
0x3: {  	s3 =	srdreg.scid;
	s4 =	stileid.u32  }
0x4: {  	s2 =	rddreg [dreg:$0x3];
	s17 =	simm.s32 $0xB;
	s28 =	simm.s32 $0xB820  }
0x5: {  	s29 =	simm.s32 $0x2;
	s31 =	simm.s32 $0xE020;
	s30 =	simm.s32 $0x8  }
0x6: {  	s5 =	sand.u32 $0x1, s3;
	s6 =	sshll.u32 s4, $0x1;
	s3 =	simm.s32 $0x0  }
0x7: {  	s25 =	smul.u32 $0x4E200, s4;
	p0 =	sne.s32 s4, $0x0;
	s4 =	simm.s32 $0x9  }
0x8: {  	s6 =	sor.u32 s5, s6;
	[smem:$0x7FF] =	sst s3;
	s19 =	ssub.s32 $0x2, s5  }
0x9: {  	s5 =	smul.u32 $0x27100, s5;
	s18 =	sshrl.u32 @!p0 s2, $0x3;
	s7 =	sshll.u32 s6, $0xB  }
0xa: {  	s8 =	smul.u32 $0x138800, s6;
	_ =	strace $0x80000047;
	s9 =	sshrl.u32 s19, $0x1  }
0xb: {  	s6 =	smul.u32 $0x27100, s6;
	s0 =	sadd.s32 s7, s0;
	s7 =	ssub.s32 s19, s9  }
0xc: {  	s19 =	simm.s32 $0x50;
	s8 =	sshrl.u32 s8, $0x3;
	s0 =	sadd.s32 $0x400, s0  }
0xd: {  	s6 =	sadd.s32 s1, s6;
	s15 =	smax.u32 s7, $0x1;
	[dreg:$0x5] =	wrdreg s0  }
0xe: {  	s20 =	sadd.s32 s1, s8;
	[dreg:$0x6] =	wrdreg s6;
	s1 =	sadd.s32 s25, s1  }
0xf: {  	s25 =	simm.s32 $0x1;
	s0 =	simm.s32 $0x6;
	s6 =	simm.s32 $0x0  }
0x10: {  	s21 =	sadd.s32 $0x500, s20;
	s22 =	sadd.s32 $0xA00, s20;
	s23 =	sadd.s32 $0xF00, s20  }
0x11: {  	s24 =	sadd.s32 $0x1400, s20;
	s8 =	sadd.s32 $0x25800, s20;
	[dreg:$0x7] =	wrdreg s21  }
0x12: {  	s11 =	sadd.s32 $0x25D00, s20;
	s12 =	sadd.s32 $0x26200, s20;
	[dreg:$0x8] =	wrdreg s22  }
0x13: {  	s13 =	sadd.s32 $0x26700, s20;
	s14 =	sadd.s32 $0x26C00, s20;
	[dreg:$0x9] =	wrdreg s23  }
0x14: {  	s26 =	sadd.s32 s5, s1;
	s20 =	simm.s32 $0x4020;
	[dreg:$0xa] =	wrdreg s24  }
0x15: {  	s1 =	simm.s32 $0x3;
	s5 =	simm.s32 $0xA;
	[dreg:$0xb] =	wrdreg s8  }
0x16: {  	s16 =	sadd.s32 $0x1900, s26;
	s22 =	simm.s32 $0x6820;
	s24 =	simm.s32 $0x9020  }
0x17: {  	s23 =	simm.s32 $0x4;
	s26 =	simm.s32 $0x7;
	s21 =	simm.s32 $0x5  }
.LBB2_1:
0x18: {  	s7 =	rddreg [dreg:$0x5]  }
0x19: {  	[tilespmem:s3], [sflag:$0xB] =	stream.linear.gather [hbm4b:s7+s3], $0x3E80, $0x38;
	[tilespmem:$0x10820] =	vst v63  }
0x1a: {  	_ =	swait.ge [sflag:s17], $0x3E80  }
0x1b: {  	[sflag:s17] =	ssyncset.done $0x0  }
0x1c: {  	[sflag:s17] =	ssyncadd.s32 $0xFFFFC180  }
0x1d: {  	s7 =	simm.s32 @!p0 $0x1C0B;
	s8 =	rddreg [dreg:$0x1]  }
0x1e: {  	[spmem:s18], [sflag:s7] =	dma.local @!p0 [hbm:s8], $0x40  }
0x1f: {  	s7 =	simm.s32 @!p0 $0xB  }
0x20: {  	_ =	swait.ge @!p0 [sflag:s7], $0x40  }
0x21: {  	[sflag:s7] =	ssyncset.done @!p0 $0x0  }
0x22: {  	[sflag:s7] =	ssyncadd.s32 @!p0 $0xFFFFFFC0  }
0x23: {  	[bflag:$0x0] =	sbarrier.arrive $0xFFFF  }
0x24: {  	[tilespmem:s20], [sflag:$0x1] =	stream.indirect.gather [spmem:s2], $0x80, s3, s19, $0xb8;
	[tilespmem:$0x10820] =	vst v63  }
0x25: {  	s9 =	simm.s32 $0x80  }
0x26: {  	[tilespmem:s22], [sflag:$0x2] =	stream.indirect.gather [spmem:s2], $0x80, s9, s19, $0xb8;
	[tilespmem:$0x10820] =	vst v63  }
0x27: {  	s10 =	simm.s32 $0x100  }
0x28: {  	[tilespmem:s24], [sflag:$0x3] =	stream.indirect.gather [spmem:s2], $0x80, s10, s19, $0xb8;
	[tilespmem:$0x10820] =	vst v63  }
0x29: {  	_ =	swait.ge [sflag:s25], $0x2800  }
0x2a: {  	[sflag:s25] =	ssyncset.done $0x0  }
0x2b: {  	s8 =	rddreg [dreg:$0x6];
	[sflag:s25] =	ssyncadd.s32 $0xFFFFD800  }
0x2c: {  	[hbm4b:s8+s3] =	stream.linear.scatter [tilespmem:s20], [sflag:$0x6], $0x2800, $0x38;
	[tilespmem:$0x10820] =	vst v63  }
0x2d: {  	s9 =	simm.s32 $0x180  }
0x2e: {  	[tilespmem:s28], [sflag:$0x4] =	stream.indirect.gather [spmem:s2], $0x80, s9, s19, $0xb8;
	[tilespmem:$0x10820] =	vst v63  }
0x2f: {  	_ =	swait.ge [sflag:s29], $0x2800  }
0x30: {  	[sflag:s29] =	ssyncset.done $0x0  }
0x31: {  	s10 =	rddreg [dreg:$0x7];
	[sflag:s29] =	ssyncadd.s32 $0xFFFFD800  }
0x32: {  	[hbm4b:s10+s3] =	stream.linear.scatter [tilespmem:s22], [sflag:$0x7], $0x2800, $0x38;
	[tilespmem:$0x10820] =	vst v63  }
0x33: {  	s8 =	simm.s32 $0x200  }
0x34: {  	[tilespmem:s31], [sflag:$0x5] =	stream.indirect.gather [spmem:s2], $0x80, s8, s19, $0xb8;
	[tilespmem:$0x10820] =	vst v63  }
0x35: {  	_ =	swait.ge [sflag:s1], $0x2800  }
0x36: {  	[sflag:s1] =	ssyncset.done $0x0  }
0x37: {  	s9 =	rddreg [dreg:$0x8];
	[sflag:s1] =	ssyncadd.s32 $0xFFFFD800  }
0x38: {  	[hbm4b:s9+s3] =	stream.linear.scatter [tilespmem:s24], [sflag:$0x8], $0x2800, $0x38;
	[tilespmem:$0x10820] =	vst v63  }
0x39: {  	_ =	swait.ge [sflag:s0], $0x2800  }
0x3a: {  	[sflag:s0] =	ssyncset.done $0x0  }
0x3b: {  	s10 =	simm.s32 $0x280;
	[sflag:s0] =	ssyncadd.s32 $0xFFFFD800  }
0x3c: {  	[tilespmem:s20], [sflag:$0x1] =	stream.indirect.gather [spmem:s2], $0x80, s10, s19, $0xb8;
	[tilespmem:$0x10820] =	vst v63  }
0x3d: {  	_ =	swait.ge [sflag:s23], $0x2800  }
0x3e: {  	[sflag:s23] =	ssyncset.done $0x0  }
0x3f: {  	s8 =	rddreg [dreg:$0x9];
	[sflag:s23] =	ssyncadd.s32 $0xFFFFD800  }
0x40: {  	[hbm4b:s8+s3] =	stream.linear.scatter [tilespmem:s28], [sflag:$0x9], $0x2800, $0x38;
	[tilespmem:$0x10820] =	vst v63  }
0x41: {  	_ =	swait.ge [sflag:s26], $0x2800  }
0x42: {  	[sflag:s26] =	ssyncset.done $0x0  }
0x43: {  	s9 =	simm.s32 $0x300;
	[sflag:s26] =	ssyncadd.s32 $0xFFFFD800  }
0x44: {  	[tilespmem:s22], [sflag:$0x2] =	stream.indirect.gather [spmem:s2], $0x80, s9, s19, $0xb8;
	[tilespmem:$0x10820] =	vst v63  }
0x45: {  	_ =	swait.ge [sflag:s21], $0x2800  }
0x46: {  	[sflag:s21] =	ssyncset.done $0x0  }
0x47: {  	s10 =	rddreg [dreg:$0xa];
	[sflag:s21] =	ssyncadd.s32 $0xFFFFD800  }
0x48: {  	[hbm4b:s10+s3] =	stream.linear.scatter [tilespmem:s31], [sflag:$0xA], $0x2800, $0x38;
	[tilespmem:$0x10820] =	vst v63  }
0x49: {  	_ =	swait.ge [sflag:s30], $0x2800  }
0x4a: {  	[sflag:s30] =	ssyncset.done $0x0  }
0x4b: {  	s8 =	simm.s32 $0x380;
	[sflag:s30] =	ssyncadd.s32 $0xFFFFD800  }
0x4c: {  	[tilespmem:s24], [sflag:$0x3] =	stream.indirect.gather [spmem:s2], $0x80, s8, s19, $0xb8;
	[tilespmem:$0x10820] =	vst v63  }
0x4d: {  	_ =	swait.ge [sflag:s25], $0x2800  }
0x4e: {  	[sflag:s25] =	ssyncset.done $0x0  }
0x4f: {  	[sflag:s25] =	ssyncadd.s32 $0xFFFFD800  }
0x50: {  	[hbm4b:s16+s3] =	stream.linear.scatter [tilespmem:s20], [sflag:$0x6], $0x2800, $0x38;
	[tilespmem:$0x10820] =	vst v63  }
0x51: {  	_ =	swait.ge [sflag:s4], $0x2800  }
0x52: {  	[sflag:s4] =	ssyncset.done $0x0  }
0x53: {  	s9 =	simm.s32 $0x400;
	[sflag:s4] =	ssyncadd.s32 $0xFFFFD800  }
0x54: {  	[tilespmem:s28], [sflag:$0x4] =	stream.indirect.gather [spmem:s2], $0x80, s9, s19, $0xb8;
	[tilespmem:$0x10820] =	vst v63  }
0x55: {  	_ =	swait.ge [sflag:s29], $0x2800  }
0x56: {  	[sflag:s29] =	ssyncset.done $0x0  }
0x57: {  	s10 =	sadd.s32 $0x500, s16;
	[sflag:s29] =	ssyncadd.s32 $0xFFFFD800  }
0x58: {  	[hbm4b:s10+s3] =	stream.linear.scatter [tilespmem:s22], [sflag:$0x7], $0x2800, $0x38;
	[tilespmem:$0x10820] =	vst v63  }
0x59: {  	_ =	swait.ge [sflag:s5], $0x2800  }
0x5a: {  	[sflag:s5] =	ssyncset.done $0x0  }
0x5b: {  	s8 =	simm.s32 $0x480;
	[sflag:s5] =	ssyncadd.s32 $0xFFFFD800  }
0x5c: {  	[tilespmem:s31], [sflag:$0x5] =	stream.indirect.gather [spmem:s2], $0x80, s8, s19, $0xb8;
	[tilespmem:$0x10820] =	vst v63  }
0x5d: {  	_ =	swait.ge [sflag:s1], $0x2800  }
0x5e: {  	[sflag:s1] =	ssyncset.done $0x0  }
0x5f: {  	s9 =	sadd.s32 $0xA00, s16;
	[sflag:s1] =	ssyncadd.s32 $0xFFFFD800  }
0x60: {  	[hbm4b:s9+s3] =	stream.linear.scatter [tilespmem:s24], [sflag:$0x8], $0x2800, $0x38;
	[tilespmem:$0x10820] =	vst v63  }
0x61: {  	_ =	swait.ge [sflag:s0], $0x2800  }
0x62: {  	[sflag:s0] =	ssyncset.done $0x0  }
0x63: {  	s10 =	simm.s32 $0x500;
	[sflag:s0] =	ssyncadd.s32 $0xFFFFD800  }
0x64: {  	[tilespmem:s20], [sflag:$0x1] =	stream.indirect.gather [spmem:s2], $0x80, s10, s19, $0xb8;
	[tilespmem:$0x10820] =	vst v63  }
0x65: {  	_ =	swait.ge [sflag:s23], $0x2800  }
0x66: {  	[sflag:s23] =	ssyncset.done $0x0  }
0x67: {  	s8 =	sadd.s32 $0xF00, s16;
	[sflag:s23] =	ssyncadd.s32 $0xFFFFD800  }
0x68: {  	[hbm4b:s8+s3] =	stream.linear.scatter [tilespmem:s28], [sflag:$0x9], $0x2800, $0x38;
	[tilespmem:$0x10820] =	vst v63  }
0x69: {  	_ =	swait.ge [sflag:s26], $0x2800  }
0x6a: {  	[sflag:s26] =	ssyncset.done $0x0  }
0x6b: {  	s9 =	simm.s32 $0x580;
	[sflag:s26] =	ssyncadd.s32 $0xFFFFD800  }
0x6c: {  	[tilespmem:s22], [sflag:$0x2] =	stream.indirect.gather [spmem:s2], $0x80, s9, s19, $0xb8;
	[tilespmem:$0x10820] =	vst v63  }
0x6d: {  	_ =	swait.ge [sflag:s21], $0x2800  }
0x6e: {  	[sflag:s21] =	ssyncset.done $0x0  }
0x6f: {  	s10 =	sadd.s32 $0x1400, s16;
	[sflag:s21] =	ssyncadd.s32 $0xFFFFD800  }
0x70: {  	[hbm4b:s10+s3] =	stream.linear.scatter [tilespmem:s31], [sflag:$0xA], $0x2800, $0x38;
	[tilespmem:$0x10820] =	vst v63  }
0x71: {  	_ =	swait.ge [sflag:s30], $0x2800  }
0x72: {  	s7 =	simm.s32 $0xA00;
	[sflag:s30] =	ssyncset.done $0x0  }
0x73: {  	s8 =	sadd.s32 $0x1900, s16;
	s9 =	simm.s32 $0x600;
	[sflag:s30] =	ssyncadd.s32 $0xFFFFD800  }
.LBB2_2:
0x74: {  	[tilespmem:s24], [sflag:$0x3] =	stream.indirect.gather [spmem:s2], $0x80, s9, s19, $0xb8;
	[tilespmem:$0x10820] =	vst v63  }
0x75: {  	s9 =	smov.u32 s7  }
0x76: {  	p1 =	sne.s32 s7, $0xDC00;
	s7 =	sadd.s32 $0xA00, s7;
	_ =	swait.ge [sflag:s25], $0x2800  }
0x77: {  	[sflag:s25] =	ssyncset.done $0x0  }
0x78: {  	[sflag:s25] =	ssyncadd.s32 $0xFFFFD800  }
0x79: {  	[hbm4b:s8+s3] =	stream.linear.scatter [tilespmem:s20], [sflag:$0x6], $0x2800, $0x38;
	[tilespmem:$0x10820] =	vst v63  }
0x7a: {  	_ =	swait.ge [sflag:s4], $0x2800  }
0x7b: {  	s9 =	sshra.s32 s9, $0x2;
	[sflag:s4] =	ssyncset.done $0x0  }
0x7c: {  	s10 =	sadd.s32 $0x400, s9;
	[sflag:s4] =	ssyncadd.s32 $0xFFFFD800  }
0x7d: {  	[tilespmem:s28], [sflag:$0x4] =	stream.indirect.gather [spmem:s2], $0x80, s10, s19, $0xb8;
	[tilespmem:$0x10820] =	vst v63  }
0x7e: {  	_ =	swait.ge [sflag:s29], $0x2800  }
0x7f: {  	[sflag:s29] =	ssyncset.done $0x0  }
0x80: {  	s10 =	sadd.s32 $0x500, s8;
	[sflag:s29] =	ssyncadd.s32 $0xFFFFD800  }
0x81: {  	[hbm4b:s10+s3] =	stream.linear.scatter [tilespmem:s22], [sflag:$0x7], $0x2800, $0x38;
	[tilespmem:$0x10820] =	vst v63  }
0x82: {  	_ =	swait.ge [sflag:s5], $0x2800  }
0x83: {  	[sflag:s5] =	ssyncset.done $0x0  }
0x84: {  	s10 =	sadd.s32 $0x480, s9;
	[sflag:s5] =	ssyncadd.s32 $0xFFFFD800  }
0x85: {  	[tilespmem:s31], [sflag:$0x5] =	stream.indirect.gather [spmem:s2], $0x80, s10, s19, $0xb8;
	[tilespmem:$0x10820] =	vst v63  }
0x86: {  	_ =	swait.ge [sflag:s1], $0x2800  }
0x87: {  	[sflag:s1] =	ssyncset.done $0x0  }
0x88: {  	s10 =	sadd.s32 $0xA00, s8;
	[sflag:s1] =	ssyncadd.s32 $0xFFFFD800  }
0x89: {  	[hbm4b:s10+s3] =	stream.linear.scatter [tilespmem:s24], [sflag:$0x8], $0x2800, $0x38;
	[tilespmem:$0x10820] =	vst v63  }
0x8a: {  	_ =	swait.ge [sflag:s0], $0x2800  }
0x8b: {  	[sflag:s0] =	ssyncset.done $0x0  }
0x8c: {  	s10 =	sadd.s32 $0x500, s9;
	[sflag:s0] =	ssyncadd.s32 $0xFFFFD800  }
0x8d: {  	[tilespmem:s20], [sflag:$0x1] =	stream.indirect.gather [spmem:s2], $0x80, s10, s19, $0xb8;
	[tilespmem:$0x10820] =	vst v63  }
0x8e: {  	_ =	swait.ge [sflag:s23], $0x2800  }
0x8f: {  	[sflag:s23] =	ssyncset.done $0x0  }
0x90: {  	s10 =	sadd.s32 $0xF00, s8;
	[sflag:s23] =	ssyncadd.s32 $0xFFFFD800  }
0x91: {  	[hbm4b:s10+s3] =	stream.linear.scatter [tilespmem:s28], [sflag:$0x9], $0x2800, $0x38;
	[tilespmem:$0x10820] =	vst v63  }
0x92: {  	_ =	swait.ge [sflag:s26], $0x2800  }
0x93: {  	[sflag:s26] =	ssyncset.done $0x0  }
0x94: {  	s10 =	sadd.s32 $0x580, s9;
	[sflag:s26] =	ssyncadd.s32 $0xFFFFD800  }
0x95: {  	[tilespmem:s22], [sflag:$0x2] =	stream.indirect.gather [spmem:s2], $0x80, s10, s19, $0xb8;
	[tilespmem:$0x10820] =	vst v63  }
0x96: {  	_ =	swait.ge [sflag:s21], $0x2800  }
0x97: {  	[sflag:s21] =	ssyncset.done $0x0  }
.Ltmp0:
0x98: {  	s10 =	sadd.s32 $0x1400, s8;
	[sflag:s21] =	ssyncadd.s32 $0xFFFFD800;
	(pc) =	sbr.rel @p1 .LBB2_2-.Ltmp0, $4  }
0x99: {  	[hbm4b:s10+s3] =	stream.linear.scatter [tilespmem:s31], [sflag:$0xA], $0x2800, $0x38;
	[tilespmem:$0x10820] =	vst v63  }
0x9a: {  	_ =	swait.ge [sflag:s30], $0x2800  }
0x9b: {  	[sflag:s30] =	ssyncset.done $0x0  }
0x9c: {  	s9 =	sadd.s32 $0x600, s9;
	s8 =	sadd.s32 $0x1900, s8;
	[sflag:s30] =	ssyncadd.s32 $0xFFFFD800  }
0x9d: {  	[tilespmem:s24], [sflag:$0x3] =	stream.indirect.gather [spmem:s2], $0x80, s9, s19, $0xb8;
	[tilespmem:$0x10820] =	vst v63  }
0x9e: {  	_ =	swait.ge [sflag:s25], $0x2800  }
0x9f: {  	[sflag:s25] =	ssyncset.done $0x0  }
0xa0: {  	s7 =	rddreg [dreg:$0xb];
	[sflag:s25] =	ssyncadd.s32 $0xFFFFD800  }
0xa1: {  	[hbm4b:s7+s3] =	stream.linear.scatter [tilespmem:s20], [sflag:$0x6], $0x2800, $0x38;
	[tilespmem:$0x10820] =	vst v63  }
0xa2: {  	_ =	swait.ge [sflag:s4], $0x2800  }
0xa3: {  	[sflag:s4] =	ssyncset.done $0x0  }
0xa4: {  	s9 =	simm.s32 $0x3D80;
	[sflag:s4] =	ssyncadd.s32 $0xFFFFD800  }
0xa5: {  	[tilespmem:s28], [sflag:$0x4] =	stream.indirect.gather [spmem:s2], $0x80, s9, s19, $0xb8;
	[tilespmem:$0x10820] =	vst v63  }
0xa6: {  	_ =	swait.ge [sflag:s29], $0x2800  }
0xa7: {  	[sflag:s29] =	ssyncset.done $0x0  }
0xa8: {  	[sflag:s29] =	ssyncadd.s32 $0xFFFFD800  }
0xa9: {  	[hbm4b:s11+s3] =	stream.linear.scatter [tilespmem:s22], [sflag:$0x7], $0x2800, $0x38;
	[tilespmem:$0x10820] =	vst v63  }
0xaa: {  	_ =	swait.ge [sflag:s5], $0x2800  }
0xab: {  	[sflag:s5] =	ssyncset.done $0x0  }
0xac: {  	s10 =	simm.s32 $0x3E00;
	[sflag:s5] =	ssyncadd.s32 $0xFFFFD800  }
0xad: {  	[tilespmem:s31], [sflag:$0x5] =	stream.indirect.gather [spmem:s2], $0x80, s10, s19, $0xb8;
	[tilespmem:$0x10820] =	vst v63  }
0xae: {  	_ =	swait.ge [sflag:s1], $0x2800  }
0xaf: {  	[sflag:s1] =	ssyncset.done $0x0  }
0xb0: {  	[sflag:s1] =	ssyncadd.s32 $0xFFFFD800  }
0xb1: {  	[hbm4b:s12+s3] =	stream.linear.scatter [tilespmem:s24], [sflag:$0x8], $0x2800, $0x38;
	[tilespmem:$0x10820] =	vst v63  }
0xb2: {  	_ =	swait.ge [sflag:s23], $0x2800  }
0xb3: {  	[sflag:s23] =	ssyncset.done $0x0  }
0xb4: {  	[sflag:s23] =	ssyncadd.s32 $0xFFFFD800  }
0xb5: {  	[hbm4b:s13+s3] =	stream.linear.scatter [tilespmem:s28], [sflag:$0x9], $0x2800, $0x38;
	[tilespmem:$0x10820] =	vst v63  }
0xb6: {  	_ =	swait.ge [sflag:s21], $0x2800  }
0xb7: {  	[sflag:s21] =	ssyncset.done $0x0  }
0xb8: {  	[sflag:s21] =	ssyncadd.s32 $0xFFFFD800  }
0xb9: {  	[hbm4b:s14+s3] =	stream.linear.scatter [tilespmem:s31], [sflag:$0xA], $0x2800, $0x38;
	[tilespmem:$0x10820] =	vst v63  }
0xba: {  	_ =	swait.ge [sflag:s0], $0x2800  }
0xbb: {  	[sflag:s0] =	ssyncset.done $0x0  }
0xbc: {  	[sflag:s0] =	ssyncadd.s32 $0xFFFFD800  }
0xbd: {  	_ =	swait.ge [sflag:s26], $0x2800  }
0xbe: {  	[sflag:s26] =	ssyncset.done $0x0  }
0xbf: {  	[sflag:s26] =	ssyncadd.s32 $0xFFFFD800  }
0xc0: {  	_ =	swait.ge [sflag:s30], $0x2800  }
0xc1: {  	[sflag:s30] =	ssyncset.done $0x0  }
0xc2: {  	s6 =	sadd.s32 $0x1, s6;
	[sflag:s30] =	ssyncadd.s32 $0xFFFFD800  }
0xc3: {  	p1 =	sne.s32 s6, s15;
	_ =	swait.ge [sflag:s4], $0x2800  }
.Ltmp1:
0xc4: {  	[sflag:s4] =	ssyncset.done $0x0;
	(pc) =	sbr.rel @p1 .LBB2_1-.Ltmp1, $4  }
0xc5: {  	[sflag:s4] =	ssyncadd.s32 $0xFFFFD800  }
0xc6: {  	_ =	swait.ge [sflag:s5], $0x2800  }
0xc7: {  	[sflag:s5] =	ssyncset.done $0x0  }
0xc8: {  	[sflag:s5] =	ssyncadd.s32 $0xFFFFD800  }
0xc9: {  	_ =	sfence.sel $0x180000  }
0xca: {  	[bflag:$0x0] =	sbarrier.arrive $0xFFFF  }
0xcb: {  	_ =	strace $0x90000047  }
0xcc: {  	[bflag:$0x2] =	sbarrier.arrive $0xFFFF  }
0xcd: {  	s0 =	rddreg [dreg:$0x4]  }
0xce: {  	s0 =	sadd.s32 @!p0 $0x100000, s0  }
0xcf: {  	[sflag:s0] =	ssyncadd.tile.s32 @!p0 $0x1;
	_ =	shalt  }
.Lfunc_end2:
_tile_overlayer_lowered:
.L_overlay_start_2:
0xd0: {  	(tag) =	ssettag $0x2  }
0xd1: {  	s0 =	rddreg [dreg:$0x0];
	s2 =	stileid.u32  }
0xd2: {  	s1 =	rddreg [dreg:$0x1];
	p0 =	sne.s32 s2, $0x0  }
0xd3: {  	s3 =	rddreg [dreg:$0x2];
	[bflag:$0x3] =	sbarrier.arrive $0xFFFF;
	s2 =	simm.s32 @!p0 $0x1C0B  }
0xd4: {  	[timem:s3], [sflag:s2] =	dma.local @!p0 [hbm:s0], s1  }
0xd5: {  	s0 =	simm.s32 @!p0 $0xB  }
0xd6: {  	_ =	swait.ge @!p0 [sflag:s0], s1  }
0xd7: {  	s1 =	ssub.s32 @!p0 $0x0, s1;
	[sflag:s0] =	ssyncset.done @!p0 $0x0  }
0xd8: {  	[sflag:s0] =	ssyncadd.s32 @!p0 s1  }
0xd9: {  	[bflag:$0x3] =	sbarrier.arrive $0xFFFF  }
0xda: {  	_ =	shalt  }

</sc_bundles>
